<compile_context>
chip_gen: v7x
topology: tpu7x:2x2x1
jax: 0.10.2.dev20260603
libtpu: 0.0.44.dev20260713+nightly
codegen_flags: <defaults>
</compile_context>

<pallas_src>
import functools

import jax
import jax.numpy as jnp
from jax import lax
from jax.experimental import pallas as pl
from jax.experimental.pallas import tpu as pltpu
from jax.experimental.pallas import tpu_sc as plsc

_NC = 2
_NS = 16
_NW = _NC * _NS


def _emb_lookup(x2d, table, *, b_per_w, chunk, nbuf):
    d = table.shape[1]
    n_rows, n_cols = x2d.shape
    w_per_row = n_cols // b_per_w
    sizes = [8, 24] + [chunk] * ((b_per_w - 64) // chunk) + [24, 8]
    assert sum(sizes) == b_per_w
    offs = [sum(sizes[:i]) for i in range(len(sizes))]
    n_chunks = len(sizes)
    mesh = plsc.VectorSubcoreMesh(core_axis_name="c", subcore_axis_name="s")

    @functools.partial(
        pl.kernel,
        mesh=mesh,
        out_type=jax.ShapeDtypeStruct((n_rows, n_cols, d), jnp.float32),
        scratch_types=(
            [pltpu.VMEM((b_per_w,), jnp.int32)]
            + [pltpu.VMEM((chunk, d), jnp.float32) for _ in range(nbuf)]
            + [pltpu.SemaphoreType.DMA, pltpu.SemaphoreType.DMA]
        ),
    )
    def body(idx_hbm, table_hbm, out_hbm, idx_v, *rest):
        bufs = rest[:nbuf]
        g_sem, w_sem = rest[nbuf], rest[nbuf + 1]
        wid = lax.axis_index("s") * _NC + lax.axis_index("c")
        row = wid // w_per_row
        col0 = (wid % w_per_row) * b_per_w
        pltpu.sync_copy(idx_hbm.at[row, pl.ds(col0, b_per_w)], idx_v)

        def gather(c):
            return pltpu.async_copy(
                table_hbm.at[idx_v.at[pl.ds(offs[c], sizes[c])]],
                bufs[c % nbuf].at[pl.ds(0, sizes[c])], g_sem)

        def writeback(c):
            return pltpu.async_copy(
                bufs[c % nbuf].at[pl.ds(0, sizes[c])],
                out_hbm.at[row, pl.ds(col0 + offs[c], sizes[c])], w_sem)

        gathers = [gather(c) for c in range(min(nbuf - 1, n_chunks))]
        writes = []
        for c in range(n_chunks):
            gathers[c].wait()
            writes.append(writeback(c))
            nxt = c + nbuf - 1
            if nxt < n_chunks:
                if nxt >= nbuf:
                    writes[nxt - nbuf].wait()
                gathers.append(gather(nxt))
        for c in range(max(0, n_chunks - nbuf), n_chunks):
            writes[c].wait()

    return body(x2d, table)


def kernel(x, table):
    b, s = x.shape
    return _emb_lookup(x.astype(jnp.int32), table,
                       b_per_w=(b * s) // _NW, chunk=32, nbuf=3)

# --- scband reference (transcript-rebuilt; emitter-appended) ---
"""Pipeline reference for scband-tt-llama-embedding-37203006717960 (READ-ONLY COPY).

The authoritative reference and input builder live on the scoring server;
editing this copy changes nothing except your own understanding.
"""

import jax, jax.numpy as jnp
import numpy as np

VOCAB = 100000
D_MODEL = 1024
BATCH = 4
SEQ = 2048


def setup_inputs(seed: int = 0) -> dict:
    key = jax.random.key(seed)
    k_idx, k_tab = jax.random.split(key)
    x = jax.random.randint(k_idx, (BATCH, SEQ), 0, VOCAB, dtype=jnp.int64 if jax.config.read('jax_enable_x64') else jnp.int32)
    table = jax.random.normal(k_tab, (VOCAB, D_MODEL), dtype=jnp.float32) * 0.02
    return {"x": x, "table": table}


def reference(x, table):
    # TtLlamaEmbedding: per-device ttnn.embedding over a d_model-sharded table,
    # which concatenated across devices equals a single full-table row gather.
    out = jnp.take(table, x, axis=0)  # [B, S, D_MODEL]
    return out

if __name__ == "__main__":
    import jax
    _d = setup_inputs()
    print(jax.jit(kernel)(*tuple(_d.values())))

</pallas_src>

<mosaic_0001>
#map = affine_map<(d0, d1) -> (0, 0)>
#map1 = affine_map<(d0, d1) -> (0, 0, 0)>
module attributes {stable_mosaic.version = 14 : i64} {
  func.func @body(%arg0: i32, %arg1: i32, %arg2: memref<4x2048xi32, #tpu.memory_space<hbm>>, %arg3: memref<100000x1024xf32, #tpu.memory_space<hbm>>, %arg4: memref<4x2048x1024xf32, #tpu.memory_space<hbm>>, %arg5: memref<256xi32, #tpu.memory_space<vmem>>, %arg6: memref<32x1024xf32, #tpu.memory_space<vmem>>, %arg7: memref<32x1024xf32, #tpu.memory_space<vmem>>, %arg8: memref<32x1024xf32, #tpu.memory_space<vmem>>, %arg9: memref<!tpu.dma_semaphore, #tpu.memory_space<semaphore_mem>>, %arg10: memref<!tpu.dma_semaphore, #tpu.memory_space<semaphore_mem>>) attributes {dimension_semantics = [#tpu.dimension_semantics<core_parallel>, #tpu.dimension_semantics<subcore_parallel>], iteration_bounds = array<i64: 2, 16>, scalar_prefetch = 0 : i64, scratch_operands = 6 : i64, tpu.core_type = #tpu.core_type<sc_vector_subcore>, window_params = [{transform_indices = #map}, {transform_indices = #map}, {transform_indices = #map1}]} {
    %mul3A = arith.constant 2 : i32
    %mul3A_0 = arith.muli %arg1, %mul3A : i32
    %add3A = arith.addi %mul3A_0, %arg0 : i32
    %jit3A = arith.constant 8 : i32
    %div3A = arith.divsi %add3A, %jit3A : i32
    %sign3A = arith.constant 0 : i32
    %sign3A_1 = arith.cmpi sgt, %add3A, %sign3A : i32
    %sign3A_2 = arith.extui %sign3A_1 : i1 to i32
    %sign3A_3 = arith.constant 0 : i32
    %sign3A_4 = arith.cmpi slt, %add3A, %sign3A_3 : i32
    %sign3A_5 = arith.extui %sign3A_4 : i1 to i32
    %sign3A_6 = arith.subi %sign3A_2, %sign3A_5 : i32
    %sign3A_7 = arith.constant 0 : i32
    %sign3A_8 = arith.cmpi sgt, %jit3A, %sign3A_7 : i32
    %sign3A_9 = arith.extui %sign3A_8 : i1 to i32
    %sign3A_10 = arith.constant 0 : i32
    %sign3A_11 = arith.cmpi slt, %jit3A, %sign3A_10 : i32
    %sign3A_12 = arith.extui %sign3A_11 : i1 to i32
    %sign3A_13 = arith.subi %sign3A_9, %sign3A_12 : i32
    %ne3A = arith.cmpi ne, %sign3A_6, %sign3A_13 : i32
    %rem3A = arith.remsi %add3A, %jit3A : i32
    %ne3A_14 = arith.constant 0 : i32
    %ne3A_15 = arith.cmpi ne, %rem3A, %ne3A_14 : i32
    %and3A = arith.andi %ne3A, %ne3A_15 : i1
    %sub3A = arith.constant 1 : i32
    %sub3A_16 = arith.subi %div3A, %sub3A : i32
    %select_n3A = arith.select %and3A, %sub3A_16, %div3A : i32
    %jit3A_17 = arith.constant 8 : i32
    %eq3A = arith.constant 0 : i32
    %eq3A_18 = arith.cmpi eq, %jit3A_17, %eq3A : i32
    %jit3A_19 = arith.constant 1 : i32
    %select_n3A_20 = arith.select %eq3A_18, %jit3A_19, %jit3A_17 : i32
    %rem3A_21 = arith.remsi %add3A, %select_n3A_20 : i32
    %ne3A_22 = arith.constant 0 : i32
    %ne3A_23 = arith.cmpi ne, %rem3A_21, %ne3A_22 : i32
    %lt3A = arith.constant 0 : i32
    %lt3A_24 = arith.cmpi slt, %rem3A_21, %lt3A : i32
    %lt3A_25 = arith.constant 0 : i32
    %lt3A_26 = arith.cmpi slt, %select_n3A_20, %lt3A_25 : i32
    %ne3A_27 = arith.xori %lt3A_24, %lt3A_26 : i1
    %and3A_28 = arith.andi %ne3A_27, %ne3A_23 : i1
    %add3A_29 = arith.addi %rem3A_21, %select_n3A_20 : i32
    %select_n3A_30 = arith.select %and3A_28, %add3A_29, %rem3A_21 : i32
    %mul3A_31 = arith.constant 256 : i32
    %mul3A_32 = arith.muli %select_n3A_30, %mul3A_31 : i32
    "tpu.region"() ({
      %run_scoped3A = tpu.sem_alloc : memref<!tpu.dma_semaphore, #tpu.memory_space<semaphore_mem>>
      %dma_start3A_451 = tpu.memref_slice %arg2[%select_n3A, %mul3A_32] : memref<4x2048xi32, #tpu.memory_space<hbm>> -> memref<1x256xi32, #tpu.memory_space<hbm>>
      %dma_start3A_452 = tpu.memref_squeeze %dma_start3A_451 : memref<1x256xi32, #tpu.memory_space<hbm>> -> memref<256xi32, #tpu.memory_space<hbm>>
      %dma_start3A_453 = tpu.memref_slice %arg2[%select_n3A, %mul3A_32] : memref<4x2048xi32, #tpu.memory_space<hbm>> -> memref<1x256xi32, #tpu.memory_space<hbm>>
      %dma_start3A_454 = tpu.memref_squeeze %dma_start3A_453 : memref<1x256xi32, #tpu.memory_space<hbm>> -> memref<256xi32, #tpu.memory_space<hbm>>
      tpu.enqueue_dma source(%dma_start3A_454 : memref<256xi32, #tpu.memory_space<hbm>>) target(%arg5 : memref<256xi32, #tpu.memory_space<vmem>>) target_semaphore(%run_scoped3A : memref<!tpu.dma_semaphore, #tpu.memory_space<semaphore_mem>>)
      %dma_wait3A_455 = tpu.memref_slice %arg2[%select_n3A, %mul3A_32] : memref<4x2048xi32, #tpu.memory_space<hbm>> -> memref<1x256xi32, #tpu.memory_space<hbm>>
      %dma_wait3A_456 = tpu.memref_squeeze %dma_wait3A_455 : memref<1x256xi32, #tpu.memory_space<hbm>> -> memref<256xi32, #tpu.memory_space<hbm>>
      %dma_wait3A_457 = tpu.memref_slice %arg2[%select_n3A, %mul3A_32] : memref<4x2048xi32, #tpu.memory_space<hbm>> -> memref<1x256xi32, #tpu.memory_space<hbm>>
      %dma_wait3A_458 = tpu.memref_squeeze %dma_wait3A_457 : memref<1x256xi32, #tpu.memory_space<hbm>> -> memref<256xi32, #tpu.memory_space<hbm>>
      tpu.wait_dma2 semaphore(%run_scoped3A : memref<!tpu.dma_semaphore, #tpu.memory_space<semaphore_mem>>) src(%dma_wait3A_458 : memref<256xi32, #tpu.memory_space<hbm>>) dst(%arg5 : memref<256xi32, #tpu.memory_space<vmem>>)
      tpu.yield
    }) : () -> ()
    %dma_start3A = arith.constant 0 : i32
    %dma_start3A_33 = arith.constant 0 : i32
    %dma_start3A_34 = tpu.memref_slice %arg6[%dma_start3A, %dma_start3A_33] : memref<32x1024xf32, #tpu.memory_space<vmem>> -> memref<8x1024xf32, #tpu.memory_space<vmem>>
    %dma_start3A_35 = arith.constant 0 : i32
    %dma_start3A_36 = tpu.memref_slice %arg5[%dma_start3A_35] : memref<256xi32, #tpu.memory_space<vmem>> -> memref<8xi32, #tpu.memory_space<vmem>>
    %dma_start3A_37 = arith.constant 0 : i32
    %dma_start3A_38 = arith.constant 0 : i32
    %dma_start3A_39 = tpu.memref_slice %arg3[%dma_start3A_37, %dma_start3A_38] : memref<100000x1024xf32, #tpu.memory_space<hbm>> -> memref<100000x1024xf32, #tpu.memory_space<hbm>>
    tpu.enqueue_indirect_dma source(%dma_start3A_39 : memref<100000x1024xf32, #tpu.memory_space<hbm>>) target(%dma_start3A_34 : memref<8x1024xf32, #tpu.memory_space<vmem>>) offsets(%dma_start3A_36 : memref<8xi32, #tpu.memory_space<vmem>>) semaphore(%arg9 : memref<!tpu.dma_semaphore, #tpu.memory_space<semaphore_mem>>)
    %dma_start3A_40 = arith.constant 0 : i32
    %dma_start3A_41 = arith.constant 0 : i32
    %dma_start3A_42 = tpu.memref_slice %arg7[%dma_start3A_40, %dma_start3A_41] : memref<32x1024xf32, #tpu.memory_space<vmem>> -> memref<24x1024xf32, #tpu.memory_space<vmem>>
    %dma_start3A_43 = arith.constant 8 : i32
    %dma_start3A_44 = tpu.memref_slice %arg5[%dma_start3A_43] : memref<256xi32, #tpu.memory_space<vmem>> -> memref<24xi32, #tpu.memory_space<vmem>>
    %dma_start3A_45 = arith.constant 0 : i32
    %dma_start3A_46 = arith.constant 0 : i32
    %dma_start3A_47 = tpu.memref_slice %arg3[%dma_start3A_45, %dma_start3A_46] : memref<100000x1024xf32, #tpu.memory_space<hbm>> -> memref<100000x1024xf32, #tpu.memory_space<hbm>>
    tpu.enqueue_indirect_dma source(%dma_start3A_47 : memref<100000x1024xf32, #tpu.memory_space<hbm>>) target(%dma_start3A_42 : memref<24x1024xf32, #tpu.memory_space<vmem>>) offsets(%dma_start3A_44 : memref<24xi32, #tpu.memory_space<vmem>>) semaphore(%arg9 : memref<!tpu.dma_semaphore, #tpu.memory_space<semaphore_mem>>)
    %dma_wait3A = arith.constant 0 : i32
    %dma_wait3A_48 = arith.constant 0 : i32
    %dma_wait3A_49 = tpu.memref_slice %arg6[%dma_wait3A, %dma_wait3A_48] : memref<32x1024xf32, #tpu.memory_space<vmem>> -> memref<8x1024xf32, #tpu.memory_space<vmem>>
    %dma_wait3A_50 = arith.constant 0 : i32
    %dma_wait3A_51 = tpu.memref_slice %arg5[%dma_wait3A_50] : memref<256xi32, #tpu.memory_space<vmem>> -> memref<8xi32, #tpu.memory_space<vmem>>
    %dma_wait3A_52 = arith.constant 0 : i32
    %dma_wait3A_53 = arith.constant 0 : i32
    %dma_wait3A_54 = tpu.memref_slice %arg3[%dma_wait3A_52, %dma_wait3A_53] : memref<100000x1024xf32, #tpu.memory_space<hbm>> -> memref<100000x1024xf32, #tpu.memory_space<hbm>>
    tpu.wait_indirect_dma semaphore(%arg9 : memref<!tpu.dma_semaphore, #tpu.memory_space<semaphore_mem>>) src(%dma_wait3A_54 : memref<100000x1024xf32, #tpu.memory_space<hbm>>) dst(%dma_wait3A_49 : memref<8x1024xf32, #tpu.memory_space<vmem>>)
    %add3A_55 = arith.constant 0 : i32
    %add3A_56 = arith.addi %mul3A_32, %add3A_55 : i32
    %dma_start3A_57 = arith.constant 0 : i32
    %dma_start3A_58 = arith.constant 0 : i32
    %dma_start3A_59 = tpu.memref_slice %arg6[%dma_start3A_57, %dma_start3A_58] : memref<32x1024xf32, #tpu.memory_space<vmem>> -> memref<8x1024xf32, #tpu.memory_space<vmem>>
    %dma_start3A_60 = arith.constant 0 : i32
    %dma_start3A_61 = tpu.memref_slice %arg4[%select_n3A, %add3A_56, %dma_start3A_60] : memref<4x2048x1024xf32, #tpu.memory_space<hbm>> -> memref<1x8x1024xf32, #tpu.memory_space<hbm>>
    %dma_start3A_62 = tpu.memref_squeeze %dma_start3A_61 : memref<1x8x1024xf32, #tpu.memory_space<hbm>> -> memref<8x1024xf32, #tpu.memory_space<hbm>>
    %dma_start3A_63 = arith.constant 0 : i32
    %dma_start3A_64 = tpu.memref_slice %arg4[%select_n3A, %add3A_56, %dma_start3A_63] : memref<4x2048x1024xf32, #tpu.memory_space<hbm>> -> memref<1x8x1024xf32, #tpu.memory_space<hbm>>
    %dma_start3A_65 = tpu.memref_squeeze %dma_start3A_64 : memref<1x8x1024xf32, #tpu.memory_space<hbm>> -> memref<8x1024xf32, #tpu.memory_space<hbm>>
    %dma_start3A_66 = arith.constant 0 : i32
    %dma_start3A_67 = arith.constant 0 : i32
    %dma_start3A_68 = tpu.memref_slice %arg6[%dma_start3A_66, %dma_start3A_67] : memref<32x1024xf32, #tpu.memory_space<vmem>> -> memref<8x1024xf32, #tpu.memory_space<vmem>>
    tpu.enqueue_dma source(%dma_start3A_68 : memref<8x1024xf32, #tpu.memory_space<vmem>>) target(%dma_start3A_65 : memref<8x1024xf32, #tpu.memory_space<hbm>>) target_semaphore(%arg10 : memref<!tpu.dma_semaphore, #tpu.memory_space<semaphore_mem>>)
    %dma_start3A_69 = arith.constant 0 : i32
    %dma_start3A_70 = arith.constant 0 : i32
    %dma_start3A_71 = tpu.memref_slice %arg8[%dma_start3A_69, %dma_start3A_70] : memref<32x1024xf32, #tpu.memory_space<vmem>> -> memref<32x1024xf32, #tpu.memory_space<vmem>>
    %dma_start3A_72 = arith.constant 32 : i32
    %dma_start3A_73 = tpu.memref_slice %arg5[%dma_start3A_72] : memref<256xi32, #tpu.memory_space<vmem>> -> memref<32xi32, #tpu.memory_space<vmem>>
    %dma_start3A_74 = arith.constant 0 : i32
    %dma_start3A_75 = arith.constant 0 : i32
    %dma_start3A_76 = tpu.memref_slice %arg3[%dma_start3A_74, %dma_start3A_75] : memref<100000x1024xf32, #tpu.memory_space<hbm>> -> memref<100000x1024xf32, #tpu.memory_space<hbm>>
    tpu.enqueue_indirect_dma source(%dma_start3A_76 : memref<100000x1024xf32, #tpu.memory_space<hbm>>) target(%dma_start3A_71 : memref<32x1024xf32, #tpu.memory_space<vmem>>) offsets(%dma_start3A_73 : memref<32xi32, #tpu.memory_space<vmem>>) semaphore(%arg9 : memref<!tpu.dma_semaphore, #tpu.memory_space<semaphore_mem>>)
    %dma_wait3A_77 = arith.constant 0 : i32
    %dma_wait3A_78 = arith.constant 0 : i32
    %dma_wait3A_79 = tpu.memref_slice %arg7[%dma_wait3A_77, %dma_wait3A_78] : memref<32x1024xf32, #tpu.memory_space<vmem>> -> memref<24x1024xf32, #tpu.memory_space<vmem>>
    %dma_wait3A_80 = arith.constant 8 : i32
    %dma_wait3A_81 = tpu.memref_slice %arg5[%dma_wait3A_80] : memref<256xi32, #tpu.memory_space<vmem>> -> memref<24xi32, #tpu.memory_space<vmem>>
    %dma_wait3A_82 = arith.constant 0 : i32
    %dma_wait3A_83 = arith.constant 0 : i32
    %dma_wait3A_84 = tpu.memref_slice %arg3[%dma_wait3A_82, %dma_wait3A_83] : memref<100000x1024xf32, #tpu.memory_space<hbm>> -> memref<100000x1024xf32, #tpu.memory_space<hbm>>
    tpu.wait_indirect_dma semaphore(%arg9 : memref<!tpu.dma_semaphore, #tpu.memory_space<semaphore_mem>>) src(%dma_wait3A_84 : memref<100000x1024xf32, #tpu.memory_space<hbm>>) dst(%dma_wait3A_79 : memref<24x1024xf32, #tpu.memory_space<vmem>>)
    %add3A_85 = arith.constant 8 : i32
    %add3A_86 = arith.addi %mul3A_32, %add3A_85 : i32
    %dma_start3A_87 = arith.constant 0 : i32
    %dma_start3A_88 = arith.constant 0 : i32
    %dma_start3A_89 = tpu.memref_slice %arg7[%dma_start3A_87, %dma_start3A_88] : memref<32x1024xf32, #tpu.memory_space<vmem>> -> memref<24x1024xf32, #tpu.memory_space<vmem>>
    %dma_start3A_90 = arith.constant 0 : i32
    %dma_start3A_91 = tpu.memref_slice %arg4[%select_n3A, %add3A_86, %dma_start3A_90] : memref<4x2048x1024xf32, #tpu.memory_space<hbm>> -> memref<1x24x1024xf32, #tpu.memory_space<hbm>>
    %dma_start3A_92 = tpu.memref_squeeze %dma_start3A_91 : memref<1x24x1024xf32, #tpu.memory_space<hbm>> -> memref<24x1024xf32, #tpu.memory_space<hbm>>
    %dma_start3A_93 = arith.constant 0 : i32
    %dma_start3A_94 = tpu.memref_slice %arg4[%select_n3A, %add3A_86, %dma_start3A_93] : memref<4x2048x1024xf32, #tpu.memory_space<hbm>> -> memref<1x24x1024xf32, #tpu.memory_space<hbm>>
    %dma_start3A_95 = tpu.memref_squeeze %dma_start3A_94 : memref<1x24x1024xf32, #tpu.memory_space<hbm>> -> memref<24x1024xf32, #tpu.memory_space<hbm>>
    %dma_start3A_96 = arith.constant 0 : i32
    %dma_start3A_97 = arith.constant 0 : i32
    %dma_start3A_98 = tpu.memref_slice %arg7[%dma_start3A_96, %dma_start3A_97] : memref<32x1024xf32, #tpu.memory_space<vmem>> -> memref<24x1024xf32, #tpu.memory_space<vmem>>
    tpu.enqueue_dma source(%dma_start3A_98 : memref<24x1024xf32, #tpu.memory_space<vmem>>) target(%dma_start3A_95 : memref<24x1024xf32, #tpu.memory_space<hbm>>) target_semaphore(%arg10 : memref<!tpu.dma_semaphore, #tpu.memory_space<semaphore_mem>>)
    %dma_wait3A_99 = arith.constant 0 : i32
    %dma_wait3A_100 = arith.constant 0 : i32
    %dma_wait3A_101 = tpu.memref_slice %arg6[%dma_wait3A_99, %dma_wait3A_100] : memref<32x1024xf32, #tpu.memory_space<vmem>> -> memref<8x1024xf32, #tpu.memory_space<vmem>>
    %dma_wait3A_102 = arith.constant 0 : i32
    %dma_wait3A_103 = tpu.memref_slice %arg4[%select_n3A, %add3A_56, %dma_wait3A_102] : memref<4x2048x1024xf32, #tpu.memory_space<hbm>> -> memref<1x8x1024xf32, #tpu.memory_space<hbm>>
    %dma_wait3A_104 = tpu.memref_squeeze %dma_wait3A_103 : memref<1x8x1024xf32, #tpu.memory_space<hbm>> -> memref<8x1024xf32, #tpu.memory_space<hbm>>
    %dma_wait3A_105 = arith.constant 0 : i32
    %dma_wait3A_106 = tpu.memref_slice %arg4[%select_n3A, %add3A_56, %dma_wait3A_105] : memref<4x2048x1024xf32, #tpu.memory_space<hbm>> -> memref<1x8x1024xf32, #tpu.memory_space<hbm>>
    %dma_wait3A_107 = tpu.memref_squeeze %dma_wait3A_106 : memref<1x8x1024xf32, #tpu.memory_space<hbm>> -> memref<8x1024xf32, #tpu.memory_space<hbm>>
    %dma_wait3A_108 = arith.constant 0 : i32
    %dma_wait3A_109 = arith.constant 0 : i32
    %dma_wait3A_110 = tpu.memref_slice %arg6[%dma_wait3A_108, %dma_wait3A_109] : memref<32x1024xf32, #tpu.memory_space<vmem>> -> memref<8x1024xf32, #tpu.memory_space<vmem>>
    tpu.wait_dma2 semaphore(%arg10 : memref<!tpu.dma_semaphore, #tpu.memory_space<semaphore_mem>>) src(%dma_wait3A_110 : memref<8x1024xf32, #tpu.memory_space<vmem>>) dst(%dma_wait3A_107 : memref<8x1024xf32, #tpu.memory_space<hbm>>)
    %dma_start3A_111 = arith.constant 0 : i32
    %dma_start3A_112 = arith.constant 0 : i32
    %dma_start3A_113 = tpu.memref_slice %arg6[%dma_start3A_111, %dma_start3A_112] : memref<32x1024xf32, #tpu.memory_space<vmem>> -> memref<32x1024xf32, #tpu.memory_space<vmem>>
    %dma_start3A_114 = arith.constant 64 : i32
    %dma_start3A_115 = tpu.memref_slice %arg5[%dma_start3A_114] : memref<256xi32, #tpu.memory_space<vmem>> -> memref<32xi32, #tpu.memory_space<vmem>>
    %dma_start3A_116 = arith.constant 0 : i32
    %dma_start3A_117 = arith.constant 0 : i32
    %dma_start3A_118 = tpu.memref_slice %arg3[%dma_start3A_116, %dma_start3A_117] : memref<100000x1024xf32, #tpu.memory_space<hbm>> -> memref<100000x1024xf32, #tpu.memory_space<hbm>>
    tpu.enqueue_indirect_dma source(%dma_start3A_118 : memref<100000x1024xf32, #tpu.memory_space<hbm>>) target(%dma_start3A_113 : memref<32x1024xf32, #tpu.memory_space<vmem>>) offsets(%dma_start3A_115 : memref<32xi32, #tpu.memory_space<vmem>>) semaphore(%arg9 : memref<!tpu.dma_semaphore, #tpu.memory_space<semaphore_mem>>)
    %dma_wait3A_119 = arith.constant 0 : i32
    %dma_wait3A_120 = arith.constant 0 : i32
    %dma_wait3A_121 = tpu.memref_slice %arg8[%dma_wait3A_119, %dma_wait3A_120] : memref<32x1024xf32, #tpu.memory_space<vmem>> -> memref<32x1024xf32, #tpu.memory_space<vmem>>
    %dma_wait3A_122 = arith.constant 32 : i32
    %dma_wait3A_123 = tpu.memref_slice %arg5[%dma_wait3A_122] : memref<256xi32, #tpu.memory_space<vmem>> -> memref<32xi32, #tpu.memory_space<vmem>>
    %dma_wait3A_124 = arith.constant 0 : i32
    %dma_wait3A_125 = arith.constant 0 : i32
    %dma_wait3A_126 = tpu.memref_slice %arg3[%dma_wait3A_124, %dma_wait3A_125] : memref<100000x1024xf32, #tpu.memory_space<hbm>> -> memref<100000x1024xf32, #tpu.memory_space<hbm>>
    tpu.wait_indirect_dma semaphore(%arg9 : memref<!tpu.dma_semaphore, #tpu.memory_space<semaphore_mem>>) src(%dma_wait3A_126 : memref<100000x1024xf32, #tpu.memory_space<hbm>>) dst(%dma_wait3A_121 : memref<32x1024xf32, #tpu.memory_space<vmem>>)
    %add3A_127 = arith.constant 32 : i32
    %add3A_128 = arith.addi %mul3A_32, %add3A_127 : i32
    %dma_start3A_129 = arith.constant 0 : i32
    %dma_start3A_130 = arith.constant 0 : i32
    %dma_start3A_131 = tpu.memref_slice %arg8[%dma_start3A_129, %dma_start3A_130] : memref<32x1024xf32, #tpu.memory_space<vmem>> -> memref<32x1024xf32, #tpu.memory_space<vmem>>
    %dma_start3A_132 = arith.constant 0 : i32
    %dma_start3A_133 = tpu.memref_slice %arg4[%select_n3A, %add3A_128, %dma_start3A_132] : memref<4x2048x1024xf32, #tpu.memory_space<hbm>> -> memref<1x32x1024xf32, #tpu.memory_space<hbm>>
    %dma_start3A_134 = tpu.memref_squeeze %dma_start3A_133 : memref<1x32x1024xf32, #tpu.memory_space<hbm>> -> memref<32x1024xf32, #tpu.memory_space<hbm>>
    %dma_start3A_135 = arith.constant 0 : i32
    %dma_start3A_136 = tpu.memref_slice %arg4[%select_n3A, %add3A_128, %dma_start3A_135] : memref<4x2048x1024xf32, #tpu.memory_space<hbm>> -> memref<1x32x1024xf32, #tpu.memory_space<hbm>>
    %dma_start3A_137 = tpu.memref_squeeze %dma_start3A_136 : memref<1x32x1024xf32, #tpu.memory_space<hbm>> -> memref<32x1024xf32, #tpu.memory_space<hbm>>
    %dma_start3A_138 = arith.constant 0 : i32
    %dma_start3A_139 = arith.constant 0 : i32
    %dma_start3A_140 = tpu.memref_slice %arg8[%dma_start3A_138, %dma_start3A_139] : memref<32x1024xf32, #tpu.memory_space<vmem>> -> memref<32x1024xf32, #tpu.memory_space<vmem>>
    tpu.enqueue_dma source(%dma_start3A_140 : memref<32x1024xf32, #tpu.memory_space<vmem>>) target(%dma_start3A_137 : memref<32x1024xf32, #tpu.memory_space<hbm>>) target_semaphore(%arg10 : memref<!tpu.dma_semaphore, #tpu.memory_space<semaphore_mem>>)
    %dma_wait3A_141 = arith.constant 0 : i32
    %dma_wait3A_142 = arith.constant 0 : i32
    %dma_wait3A_143 = tpu.memref_slice %arg7[%dma_wait3A_141, %dma_wait3A_142] : memref<32x1024xf32, #tpu.memory_space<vmem>> -> memref<24x1024xf32, #tpu.memory_space<vmem>>
    %dma_wait3A_144 = arith.constant 0 : i32
    %dma_wait3A_145 = tpu.memref_slice %arg4[%select_n3A, %add3A_86, %dma_wait3A_144] : memref<4x2048x1024xf32, #tpu.memory_space<hbm>> -> memref<1x24x1024xf32, #tpu.memory_space<hbm>>
    %dma_wait3A_146 = tpu.memref_squeeze %dma_wait3A_145 : memref<1x24x1024xf32, #tpu.memory_space<hbm>> -> memref<24x1024xf32, #tpu.memory_space<hbm>>
    %dma_wait3A_147 = arith.constant 0 : i32
    %dma_wait3A_148 = tpu.memref_slice %arg4[%select_n3A, %add3A_86, %dma_wait3A_147] : memref<4x2048x1024xf32, #tpu.memory_space<hbm>> -> memref<1x24x1024xf32, #tpu.memory_space<hbm>>
    %dma_wait3A_149 = tpu.memref_squeeze %dma_wait3A_148 : memref<1x24x1024xf32, #tpu.memory_space<hbm>> -> memref<24x1024xf32, #tpu.memory_space<hbm>>
    %dma_wait3A_150 = arith.constant 0 : i32
    %dma_wait3A_151 = arith.constant 0 : i32
    %dma_wait3A_152 = tpu.memref_slice %arg7[%dma_wait3A_150, %dma_wait3A_151] : memref<32x1024xf32, #tpu.memory_space<vmem>> -> memref<24x1024xf32, #tpu.memory_space<vmem>>
    tpu.wait_dma2 semaphore(%arg10 : memref<!tpu.dma_semaphore, #tpu.memory_space<semaphore_mem>>) src(%dma_wait3A_152 : memref<24x1024xf32, #tpu.memory_space<vmem>>) dst(%dma_wait3A_149 : memref<24x1024xf32, #tpu.memory_space<hbm>>)
    %dma_start3A_153 = arith.constant 0 : i32
    %dma_start3A_154 = arith.constant 0 : i32
    %dma_start3A_155 = tpu.memref_slice %arg7[%dma_start3A_153, %dma_start3A_154] : memref<32x1024xf32, #tpu.memory_space<vmem>> -> memref<32x1024xf32, #tpu.memory_space<vmem>>
    %dma_start3A_156 = arith.constant 96 : i32
    %dma_start3A_157 = tpu.memref_slice %arg5[%dma_start3A_156] : memref<256xi32, #tpu.memory_space<vmem>> -> memref<32xi32, #tpu.memory_space<vmem>>
    %dma_start3A_158 = arith.constant 0 : i32
    %dma_start3A_159 = arith.constant 0 : i32
    %dma_start3A_160 = tpu.memref_slice %arg3[%dma_start3A_158, %dma_start3A_159] : memref<100000x1024xf32, #tpu.memory_space<hbm>> -> memref<100000x1024xf32, #tpu.memory_space<hbm>>
    tpu.enqueue_indirect_dma source(%dma_start3A_160 : memref<100000x1024xf32, #tpu.memory_space<hbm>>) target(%dma_start3A_155 : memref<32x1024xf32, #tpu.memory_space<vmem>>) offsets(%dma_start3A_157 : memref<32xi32, #tpu.memory_space<vmem>>) semaphore(%arg9 : memref<!tpu.dma_semaphore, #tpu.memory_space<semaphore_mem>>)
    %dma_wait3A_161 = arith.constant 0 : i32
    %dma_wait3A_162 = arith.constant 0 : i32
    %dma_wait3A_163 = tpu.memref_slice %arg6[%dma_wait3A_161, %dma_wait3A_162] : memref<32x1024xf32, #tpu.memory_space<vmem>> -> memref<32x1024xf32, #tpu.memory_space<vmem>>
    %dma_wait3A_164 = arith.constant 64 : i32
    %dma_wait3A_165 = tpu.memref_slice %arg5[%dma_wait3A_164] : memref<256xi32, #tpu.memory_space<vmem>> -> memref<32xi32, #tpu.memory_space<vmem>>
    %dma_wait3A_166 = arith.constant 0 : i32
    %dma_wait3A_167 = arith.constant 0 : i32
    %dma_wait3A_168 = tpu.memref_slice %arg3[%dma_wait3A_166, %dma_wait3A_167] : memref<100000x1024xf32, #tpu.memory_space<hbm>> -> memref<100000x1024xf32, #tpu.memory_space<hbm>>
    tpu.wait_indirect_dma semaphore(%arg9 : memref<!tpu.dma_semaphore, #tpu.memory_space<semaphore_mem>>) src(%dma_wait3A_168 : memref<100000x1024xf32, #tpu.memory_space<hbm>>) dst(%dma_wait3A_163 : memref<32x1024xf32, #tpu.memory_space<vmem>>)
    %add3A_169 = arith.constant 64 : i32
    %add3A_170 = arith.addi %mul3A_32, %add3A_169 : i32
    %dma_start3A_171 = arith.constant 0 : i32
    %dma_start3A_172 = arith.constant 0 : i32
    %dma_start3A_173 = tpu.memref_slice %arg6[%dma_start3A_171, %dma_start3A_172] : memref<32x1024xf32, #tpu.memory_space<vmem>> -> memref<32x1024xf32, #tpu.memory_space<vmem>>
    %dma_start3A_174 = arith.constant 0 : i32
    %dma_start3A_175 = tpu.memref_slice %arg4[%select_n3A, %add3A_170, %dma_start3A_174] : memref<4x2048x1024xf32, #tpu.memory_space<hbm>> -> memref<1x32x1024xf32, #tpu.memory_space<hbm>>
    %dma_start3A_176 = tpu.memref_squeeze %dma_start3A_175 : memref<1x32x1024xf32, #tpu.memory_space<hbm>> -> memref<32x1024xf32, #tpu.memory_space<hbm>>
    %dma_start3A_177 = arith.constant 0 : i32
    %dma_start3A_178 = tpu.memref_slice %arg4[%select_n3A, %add3A_170, %dma_start3A_177] : memref<4x2048x1024xf32, #tpu.memory_space<hbm>> -> memref<1x32x1024xf32, #tpu.memory_space<hbm>>
    %dma_start3A_179 = tpu.memref_squeeze %dma_start3A_178 : memref<1x32x1024xf32, #tpu.memory_space<hbm>> -> memref<32x1024xf32, #tpu.memory_space<hbm>>
    %dma_start3A_180 = arith.constant 0 : i32
    %dma_start3A_181 = arith.constant 0 : i32
    %dma_start3A_182 = tpu.memref_slice %arg6[%dma_start3A_180, %dma_start3A_181] : memref<32x1024xf32, #tpu.memory_space<vmem>> -> memref<32x1024xf32, #tpu.memory_space<vmem>>
    tpu.enqueue_dma source(%dma_start3A_182 : memref<32x1024xf32, #tpu.memory_space<vmem>>) target(%dma_start3A_179 : memref<32x1024xf32, #tpu.memory_space<hbm>>) target_semaphore(%arg10 : memref<!tpu.dma_semaphore, #tpu.memory_space<semaphore_mem>>)
    %dma_wait3A_183 = arith.constant 0 : i32
    %dma_wait3A_184 = arith.constant 0 : i32
    %dma_wait3A_185 = tpu.memref_slice %arg8[%dma_wait3A_183, %dma_wait3A_184] : memref<32x1024xf32, #tpu.memory_space<vmem>> -> memref<32x1024xf32, #tpu.memory_space<vmem>>
    %dma_wait3A_186 = arith.constant 0 : i32
    %dma_wait3A_187 = tpu.memref_slice %arg4[%select_n3A, %add3A_128, %dma_wait3A_186] : memref<4x2048x1024xf32, #tpu.memory_space<hbm>> -> memref<1x32x1024xf32, #tpu.memory_space<hbm>>
    %dma_wait3A_188 = tpu.memref_squeeze %dma_wait3A_187 : memref<1x32x1024xf32, #tpu.memory_space<hbm>> -> memref<32x1024xf32, #tpu.memory_space<hbm>>
    %dma_wait3A_189 = arith.constant 0 : i32
    %dma_wait3A_190 = tpu.memref_slice %arg4[%select_n3A, %add3A_128, %dma_wait3A_189] : memref<4x2048x1024xf32, #tpu.memory_space<hbm>> -> memref<1x32x1024xf32, #tpu.memory_space<hbm>>
    %dma_wait3A_191 = tpu.memref_squeeze %dma_wait3A_190 : memref<1x32x1024xf32, #tpu.memory_space<hbm>> -> memref<32x1024xf32, #tpu.memory_space<hbm>>
    %dma_wait3A_192 = arith.constant 0 : i32
    %dma_wait3A_193 = arith.constant 0 : i32
    %dma_wait3A_194 = tpu.memref_slice %arg8[%dma_wait3A_192, %dma_wait3A_193] : memref<32x1024xf32, #tpu.memory_space<vmem>> -> memref<32x1024xf32, #tpu.memory_space<vmem>>
    tpu.wait_dma2 semaphore(%arg10 : memref<!tpu.dma_semaphore, #tpu.memory_space<semaphore_mem>>) src(%dma_wait3A_194 : memref<32x1024xf32, #tpu.memory_space<vmem>>) dst(%dma_wait3A_191 : memref<32x1024xf32, #tpu.memory_space<hbm>>)
    %dma_start3A_195 = arith.constant 0 : i32
    %dma_start3A_196 = arith.constant 0 : i32
    %dma_start3A_197 = tpu.memref_slice %arg8[%dma_start3A_195, %dma_start3A_196] : memref<32x1024xf32, #tpu.memory_space<vmem>> -> memref<32x1024xf32, #tpu.memory_space<vmem>>
    %dma_start3A_198 = arith.constant 128 : i32
    %dma_start3A_199 = tpu.memref_slice %arg5[%dma_start3A_198] : memref<256xi32, #tpu.memory_space<vmem>> -> memref<32xi32, #tpu.memory_space<vmem>>
    %dma_start3A_200 = arith.constant 0 : i32
    %dma_start3A_201 = arith.constant 0 : i32
    %dma_start3A_202 = tpu.memref_slice %arg3[%dma_start3A_200, %dma_start3A_201] : memref<100000x1024xf32, #tpu.memory_space<hbm>> -> memref<100000x1024xf32, #tpu.memory_space<hbm>>
    tpu.enqueue_indirect_dma source(%dma_start3A_202 : memref<100000x1024xf32, #tpu.memory_space<hbm>>) target(%dma_start3A_197 : memref<32x1024xf32, #tpu.memory_space<vmem>>) offsets(%dma_start3A_199 : memref<32xi32, #tpu.memory_space<vmem>>) semaphore(%arg9 : memref<!tpu.dma_semaphore, #tpu.memory_space<semaphore_mem>>)
    %dma_wait3A_203 = arith.constant 0 : i32
    %dma_wait3A_204 = arith.constant 0 : i32
    %dma_wait3A_205 = tpu.memref_slice %arg7[%dma_wait3A_203, %dma_wait3A_204] : memref<32x1024xf32, #tpu.memory_space<vmem>> -> memref<32x1024xf32, #tpu.memory_space<vmem>>
    %dma_wait3A_206 = arith.constant 96 : i32
    %dma_wait3A_207 = tpu.memref_slice %arg5[%dma_wait3A_206] : memref<256xi32, #tpu.memory_space<vmem>> -> memref<32xi32, #tpu.memory_space<vmem>>
    %dma_wait3A_208 = arith.constant 0 : i32
    %dma_wait3A_209 = arith.constant 0 : i32
    %dma_wait3A_210 = tpu.memref_slice %arg3[%dma_wait3A_208, %dma_wait3A_209] : memref<100000x1024xf32, #tpu.memory_space<hbm>> -> memref<100000x1024xf32, #tpu.memory_space<hbm>>
    tpu.wait_indirect_dma semaphore(%arg9 : memref<!tpu.dma_semaphore, #tpu.memory_space<semaphore_mem>>) src(%dma_wait3A_210 : memref<100000x1024xf32, #tpu.memory_space<hbm>>) dst(%dma_wait3A_205 : memref<32x1024xf32, #tpu.memory_space<vmem>>)
    %add3A_211 = arith.constant 96 : i32
    %add3A_212 = arith.addi %mul3A_32, %add3A_211 : i32
    %dma_start3A_213 = arith.constant 0 : i32
    %dma_start3A_214 = arith.constant 0 : i32
    %dma_start3A_215 = tpu.memref_slice %arg7[%dma_start3A_213, %dma_start3A_214] : memref<32x1024xf32, #tpu.memory_space<vmem>> -> memref<32x1024xf32, #tpu.memory_space<vmem>>
    %dma_start3A_216 = arith.constant 0 : i32
    %dma_start3A_217 = tpu.memref_slice %arg4[%select_n3A, %add3A_212, %dma_start3A_216] : memref<4x2048x1024xf32, #tpu.memory_space<hbm>> -> memref<1x32x1024xf32, #tpu.memory_space<hbm>>
    %dma_start3A_218 = tpu.memref_squeeze %dma_start3A_217 : memref<1x32x1024xf32, #tpu.memory_space<hbm>> -> memref<32x1024xf32, #tpu.memory_space<hbm>>
    %dma_start3A_219 = arith.constant 0 : i32
    %dma_start3A_220 = tpu.memref_slice %arg4[%select_n3A, %add3A_212, %dma_start3A_219] : memref<4x2048x1024xf32, #tpu.memory_space<hbm>> -> memref<1x32x1024xf32, #tpu.memory_space<hbm>>
    %dma_start3A_221 = tpu.memref_squeeze %dma_start3A_220 : memref<1x32x1024xf32, #tpu.memory_space<hbm>> -> memref<32x1024xf32, #tpu.memory_space<hbm>>
    %dma_start3A_222 = arith.constant 0 : i32
    %dma_start3A_223 = arith.constant 0 : i32
    %dma_start3A_224 = tpu.memref_slice %arg7[%dma_start3A_222, %dma_start3A_223] : memref<32x1024xf32, #tpu.memory_space<vmem>> -> memref<32x1024xf32, #tpu.memory_space<vmem>>
    tpu.enqueue_dma source(%dma_start3A_224 : memref<32x1024xf32, #tpu.memory_space<vmem>>) target(%dma_start3A_221 : memref<32x1024xf32, #tpu.memory_space<hbm>>) target_semaphore(%arg10 : memref<!tpu.dma_semaphore, #tpu.memory_space<semaphore_mem>>)
    %dma_wait3A_225 = arith.constant 0 : i32
    %dma_wait3A_226 = arith.constant 0 : i32
    %dma_wait3A_227 = tpu.memref_slice %arg6[%dma_wait3A_225, %dma_wait3A_226] : memref<32x1024xf32, #tpu.memory_space<vmem>> -> memref<32x1024xf32, #tpu.memory_space<vmem>>
    %dma_wait3A_228 = arith.constant 0 : i32
    %dma_wait3A_229 = tpu.memref_slice %arg4[%select_n3A, %add3A_170, %dma_wait3A_228] : memref<4x2048x1024xf32, #tpu.memory_space<hbm>> -> memref<1x32x1024xf32, #tpu.memory_space<hbm>>
    %dma_wait3A_230 = tpu.memref_squeeze %dma_wait3A_229 : memref<1x32x1024xf32, #tpu.memory_space<hbm>> -> memref<32x1024xf32, #tpu.memory_space<hbm>>
    %dma_wait3A_231 = arith.constant 0 : i32
    %dma_wait3A_232 = tpu.memref_slice %arg4[%select_n3A, %add3A_170, %dma_wait3A_231] : memref<4x2048x1024xf32, #tpu.memory_space<hbm>> -> memref<1x32x1024xf32, #tpu.memory_space<hbm>>
    %dma_wait3A_233 = tpu.memref_squeeze %dma_wait3A_232 : memref<1x32x1024xf32, #tpu.memory_space<hbm>> -> memref<32x1024xf32, #tpu.memory_space<hbm>>
    %dma_wait3A_234 = arith.constant 0 : i32
    %dma_wait3A_235 = arith.constant 0 : i32
    %dma_wait3A_236 = tpu.memref_slice %arg6[%dma_wait3A_234, %dma_wait3A_235] : memref<32x1024xf32, #tpu.memory_space<vmem>> -> memref<32x1024xf32, #tpu.memory_space<vmem>>
    tpu.wait_dma2 semaphore(%arg10 : memref<!tpu.dma_semaphore, #tpu.memory_space<semaphore_mem>>) src(%dma_wait3A_236 : memref<32x1024xf32, #tpu.memory_space<vmem>>) dst(%dma_wait3A_233 : memref<32x1024xf32, #tpu.memory_space<hbm>>)
    %dma_start3A_237 = arith.constant 0 : i32
    %dma_start3A_238 = arith.constant 0 : i32
    %dma_start3A_239 = tpu.memref_slice %arg6[%dma_start3A_237, %dma_start3A_238] : memref<32x1024xf32, #tpu.memory_space<vmem>> -> memref<32x1024xf32, #tpu.memory_space<vmem>>
    %dma_start3A_240 = arith.constant 160 : i32
    %dma_start3A_241 = tpu.memref_slice %arg5[%dma_start3A_240] : memref<256xi32, #tpu.memory_space<vmem>> -> memref<32xi32, #tpu.memory_space<vmem>>
    %dma_start3A_242 = arith.constant 0 : i32
    %dma_start3A_243 = arith.constant 0 : i32
    %dma_start3A_244 = tpu.memref_slice %arg3[%dma_start3A_242, %dma_start3A_243] : memref<100000x1024xf32, #tpu.memory_space<hbm>> -> memref<100000x1024xf32, #tpu.memory_space<hbm>>
    tpu.enqueue_indirect_dma source(%dma_start3A_244 : memref<100000x1024xf32, #tpu.memory_space<hbm>>) target(%dma_start3A_239 : memref<32x1024xf32, #tpu.memory_space<vmem>>) offsets(%dma_start3A_241 : memref<32xi32, #tpu.memory_space<vmem>>) semaphore(%arg9 : memref<!tpu.dma_semaphore, #tpu.memory_space<semaphore_mem>>)
    %dma_wait3A_245 = arith.constant 0 : i32
    %dma_wait3A_246 = arith.constant 0 : i32
    %dma_wait3A_247 = tpu.memref_slice %arg8[%dma_wait3A_245, %dma_wait3A_246] : memref<32x1024xf32, #tpu.memory_space<vmem>> -> memref<32x1024xf32, #tpu.memory_space<vmem>>
    %dma_wait3A_248 = arith.constant 128 : i32
    %dma_wait3A_249 = tpu.memref_slice %arg5[%dma_wait3A_248] : memref<256xi32, #tpu.memory_space<vmem>> -> memref<32xi32, #tpu.memory_space<vmem>>
    %dma_wait3A_250 = arith.constant 0 : i32
    %dma_wait3A_251 = arith.constant 0 : i32
    %dma_wait3A_252 = tpu.memref_slice %arg3[%dma_wait3A_250, %dma_wait3A_251] : memref<100000x1024xf32, #tpu.memory_space<hbm>> -> memref<100000x1024xf32, #tpu.memory_space<hbm>>
    tpu.wait_indirect_dma semaphore(%arg9 : memref<!tpu.dma_semaphore, #tpu.memory_space<semaphore_mem>>) src(%dma_wait3A_252 : memref<100000x1024xf32, #tpu.memory_space<hbm>>) dst(%dma_wait3A_247 : memref<32x1024xf32, #tpu.memory_space<vmem>>)
    %add3A_253 = arith.constant 128 : i32
    %add3A_254 = arith.addi %mul3A_32, %add3A_253 : i32
    %dma_start3A_255 = arith.constant 0 : i32
    %dma_start3A_256 = arith.constant 0 : i32
    %dma_start3A_257 = tpu.memref_slice %arg8[%dma_start3A_255, %dma_start3A_256] : memref<32x1024xf32, #tpu.memory_space<vmem>> -> memref<32x1024xf32, #tpu.memory_space<vmem>>
    %dma_start3A_258 = arith.constant 0 : i32
    %dma_start3A_259 = tpu.memref_slice %arg4[%select_n3A, %add3A_254, %dma_start3A_258] : memref<4x2048x1024xf32, #tpu.memory_space<hbm>> -> memref<1x32x1024xf32, #tpu.memory_space<hbm>>
    %dma_start3A_260 = tpu.memref_squeeze %dma_start3A_259 : memref<1x32x1024xf32, #tpu.memory_space<hbm>> -> memref<32x1024xf32, #tpu.memory_space<hbm>>
    %dma_start3A_261 = arith.constant 0 : i32
    %dma_start3A_262 = tpu.memref_slice %arg4[%select_n3A, %add3A_254, %dma_start3A_261] : memref<4x2048x1024xf32, #tpu.memory_space<hbm>> -> memref<1x32x1024xf32, #tpu.memory_space<hbm>>
    %dma_start3A_263 = tpu.memref_squeeze %dma_start3A_262 : memref<1x32x1024xf32, #tpu.memory_space<hbm>> -> memref<32x1024xf32, #tpu.memory_space<hbm>>
    %dma_start3A_264 = arith.constant 0 : i32
    %dma_start3A_265 = arith.constant 0 : i32
    %dma_start3A_266 = tpu.memref_slice %arg8[%dma_start3A_264, %dma_start3A_265] : memref<32x1024xf32, #tpu.memory_space<vmem>> -> memref<32x1024xf32, #tpu.memory_space<vmem>>
    tpu.enqueue_dma source(%dma_start3A_266 : memref<32x1024xf32, #tpu.memory_space<vmem>>) target(%dma_start3A_263 : memref<32x1024xf32, #tpu.memory_space<hbm>>) target_semaphore(%arg10 : memref<!tpu.dma_semaphore, #tpu.memory_space<semaphore_mem>>)
    %dma_wait3A_267 = arith.constant 0 : i32
    %dma_wait3A_268 = arith.constant 0 : i32
    %dma_wait3A_269 = tpu.memref_slice %arg7[%dma_wait3A_267, %dma_wait3A_268] : memref<32x1024xf32, #tpu.memory_space<vmem>> -> memref<32x1024xf32, #tpu.memory_space<vmem>>
    %dma_wait3A_270 = arith.constant 0 : i32
    %dma_wait3A_271 = tpu.memref_slice %arg4[%select_n3A, %add3A_212, %dma_wait3A_270] : memref<4x2048x1024xf32, #tpu.memory_space<hbm>> -> memref<1x32x1024xf32, #tpu.memory_space<hbm>>
    %dma_wait3A_272 = tpu.memref_squeeze %dma_wait3A_271 : memref<1x32x1024xf32, #tpu.memory_space<hbm>> -> memref<32x1024xf32, #tpu.memory_space<hbm>>
    %dma_wait3A_273 = arith.constant 0 : i32
    %dma_wait3A_274 = tpu.memref_slice %arg4[%select_n3A, %add3A_212, %dma_wait3A_273] : memref<4x2048x1024xf32, #tpu.memory_space<hbm>> -> memref<1x32x1024xf32, #tpu.memory_space<hbm>>
    %dma_wait3A_275 = tpu.memref_squeeze %dma_wait3A_274 : memref<1x32x1024xf32, #tpu.memory_space<hbm>> -> memref<32x1024xf32, #tpu.memory_space<hbm>>
    %dma_wait3A_276 = arith.constant 0 : i32
    %dma_wait3A_277 = arith.constant 0 : i32
    %dma_wait3A_278 = tpu.memref_slice %arg7[%dma_wait3A_276, %dma_wait3A_277] : memref<32x1024xf32, #tpu.memory_space<vmem>> -> memref<32x1024xf32, #tpu.memory_space<vmem>>
    tpu.wait_dma2 semaphore(%arg10 : memref<!tpu.dma_semaphore, #tpu.memory_space<semaphore_mem>>) src(%dma_wait3A_278 : memref<32x1024xf32, #tpu.memory_space<vmem>>) dst(%dma_wait3A_275 : memref<32x1024xf32, #tpu.memory_space<hbm>>)
    %dma_start3A_279 = arith.constant 0 : i32
    %dma_start3A_280 = arith.constant 0 : i32
    %dma_start3A_281 = tpu.memref_slice %arg7[%dma_start3A_279, %dma_start3A_280] : memref<32x1024xf32, #tpu.memory_space<vmem>> -> memref<32x1024xf32, #tpu.memory_space<vmem>>
    %dma_start3A_282 = arith.constant 192 : i32
    %dma_start3A_283 = tpu.memref_slice %arg5[%dma_start3A_282] : memref<256xi32, #tpu.memory_space<vmem>> -> memref<32xi32, #tpu.memory_space<vmem>>
    %dma_start3A_284 = arith.constant 0 : i32
    %dma_start3A_285 = arith.constant 0 : i32
    %dma_start3A_286 = tpu.memref_slice %arg3[%dma_start3A_284, %dma_start3A_285] : memref<100000x1024xf32, #tpu.memory_space<hbm>> -> memref<100000x1024xf32, #tpu.memory_space<hbm>>
    tpu.enqueue_indirect_dma source(%dma_start3A_286 : memref<100000x1024xf32, #tpu.memory_space<hbm>>) target(%dma_start3A_281 : memref<32x1024xf32, #tpu.memory_space<vmem>>) offsets(%dma_start3A_283 : memref<32xi32, #tpu.memory_space<vmem>>) semaphore(%arg9 : memref<!tpu.dma_semaphore, #tpu.memory_space<semaphore_mem>>)
    %dma_wait3A_287 = arith.constant 0 : i32
    %dma_wait3A_288 = arith.constant 0 : i32
    %dma_wait3A_289 = tpu.memref_slice %arg6[%dma_wait3A_287, %dma_wait3A_288] : memref<32x1024xf32, #tpu.memory_space<vmem>> -> memref<32x1024xf32, #tpu.memory_space<vmem>>
    %dma_wait3A_290 = arith.constant 160 : i32
    %dma_wait3A_291 = tpu.memref_slice %arg5[%dma_wait3A_290] : memref<256xi32, #tpu.memory_space<vmem>> -> memref<32xi32, #tpu.memory_space<vmem>>
    %dma_wait3A_292 = arith.constant 0 : i32
    %dma_wait3A_293 = arith.constant 0 : i32
    %dma_wait3A_294 = tpu.memref_slice %arg3[%dma_wait3A_292, %dma_wait3A_293] : memref<100000x1024xf32, #tpu.memory_space<hbm>> -> memref<100000x1024xf32, #tpu.memory_space<hbm>>
    tpu.wait_indirect_dma semaphore(%arg9 : memref<!tpu.dma_semaphore, #tpu.memory_space<semaphore_mem>>) src(%dma_wait3A_294 : memref<100000x1024xf32, #tpu.memory_space<hbm>>) dst(%dma_wait3A_289 : memref<32x1024xf32, #tpu.memory_space<vmem>>)
    %add3A_295 = arith.constant 160 : i32
    %add3A_296 = arith.addi %mul3A_32, %add3A_295 : i32
    %dma_start3A_297 = arith.constant 0 : i32
    %dma_start3A_298 = arith.constant 0 : i32
    %dma_start3A_299 = tpu.memref_slice %arg6[%dma_start3A_297, %dma_start3A_298] : memref<32x1024xf32, #tpu.memory_space<vmem>> -> memref<32x1024xf32, #tpu.memory_space<vmem>>
    %dma_start3A_300 = arith.constant 0 : i32
    %dma_start3A_301 = tpu.memref_slice %arg4[%select_n3A, %add3A_296, %dma_start3A_300] : memref<4x2048x1024xf32, #tpu.memory_space<hbm>> -> memref<1x32x1024xf32, #tpu.memory_space<hbm>>
    %dma_start3A_302 = tpu.memref_squeeze %dma_start3A_301 : memref<1x32x1024xf32, #tpu.memory_space<hbm>> -> memref<32x1024xf32, #tpu.memory_space<hbm>>
    %dma_start3A_303 = arith.constant 0 : i32
    %dma_start3A_304 = tpu.memref_slice %arg4[%select_n3A, %add3A_296, %dma_start3A_303] : memref<4x2048x1024xf32, #tpu.memory_space<hbm>> -> memref<1x32x1024xf32, #tpu.memory_space<hbm>>
    %dma_start3A_305 = tpu.memref_squeeze %dma_start3A_304 : memref<1x32x1024xf32, #tpu.memory_space<hbm>> -> memref<32x1024xf32, #tpu.memory_space<hbm>>
    %dma_start3A_306 = arith.constant 0 : i32
    %dma_start3A_307 = arith.constant 0 : i32
    %dma_start3A_308 = tpu.memref_slice %arg6[%dma_start3A_306, %dma_start3A_307] : memref<32x1024xf32, #tpu.memory_space<vmem>> -> memref<32x1024xf32, #tpu.memory_space<vmem>>
    tpu.enqueue_dma source(%dma_start3A_308 : memref<32x1024xf32, #tpu.memory_space<vmem>>) target(%dma_start3A_305 : memref<32x1024xf32, #tpu.memory_space<hbm>>) target_semaphore(%arg10 : memref<!tpu.dma_semaphore, #tpu.memory_space<semaphore_mem>>)
    %dma_wait3A_309 = arith.constant 0 : i32
    %dma_wait3A_310 = arith.constant 0 : i32
    %dma_wait3A_311 = tpu.memref_slice %arg8[%dma_wait3A_309, %dma_wait3A_310] : memref<32x1024xf32, #tpu.memory_space<vmem>> -> memref<32x1024xf32, #tpu.memory_space<vmem>>
    %dma_wait3A_312 = arith.constant 0 : i32
    %dma_wait3A_313 = tpu.memref_slice %arg4[%select_n3A, %add3A_254, %dma_wait3A_312] : memref<4x2048x1024xf32, #tpu.memory_space<hbm>> -> memref<1x32x1024xf32, #tpu.memory_space<hbm>>
    %dma_wait3A_314 = tpu.memref_squeeze %dma_wait3A_313 : memref<1x32x1024xf32, #tpu.memory_space<hbm>> -> memref<32x1024xf32, #tpu.memory_space<hbm>>
    %dma_wait3A_315 = arith.constant 0 : i32
    %dma_wait3A_316 = tpu.memref_slice %arg4[%select_n3A, %add3A_254, %dma_wait3A_315] : memref<4x2048x1024xf32, #tpu.memory_space<hbm>> -> memref<1x32x1024xf32, #tpu.memory_space<hbm>>
    %dma_wait3A_317 = tpu.memref_squeeze %dma_wait3A_316 : memref<1x32x1024xf32, #tpu.memory_space<hbm>> -> memref<32x1024xf32, #tpu.memory_space<hbm>>
    %dma_wait3A_318 = arith.constant 0 : i32
    %dma_wait3A_319 = arith.constant 0 : i32
    %dma_wait3A_320 = tpu.memref_slice %arg8[%dma_wait3A_318, %dma_wait3A_319] : memref<32x1024xf32, #tpu.memory_space<vmem>> -> memref<32x1024xf32, #tpu.memory_space<vmem>>
    tpu.wait_dma2 semaphore(%arg10 : memref<!tpu.dma_semaphore, #tpu.memory_space<semaphore_mem>>) src(%dma_wait3A_320 : memref<32x1024xf32, #tpu.memory_space<vmem>>) dst(%dma_wait3A_317 : memref<32x1024xf32, #tpu.memory_space<hbm>>)
    %dma_start3A_321 = arith.constant 0 : i32
    %dma_start3A_322 = arith.constant 0 : i32
    %dma_start3A_323 = tpu.memref_slice %arg8[%dma_start3A_321, %dma_start3A_322] : memref<32x1024xf32, #tpu.memory_space<vmem>> -> memref<24x1024xf32, #tpu.memory_space<vmem>>
    %dma_start3A_324 = arith.constant 224 : i32
    %dma_start3A_325 = tpu.memref_slice %arg5[%dma_start3A_324] : memref<256xi32, #tpu.memory_space<vmem>> -> memref<24xi32, #tpu.memory_space<vmem>>
    %dma_start3A_326 = arith.constant 0 : i32
    %dma_start3A_327 = arith.constant 0 : i32
    %dma_start3A_328 = tpu.memref_slice %arg3[%dma_start3A_326, %dma_start3A_327] : memref<100000x1024xf32, #tpu.memory_space<hbm>> -> memref<100000x1024xf32, #tpu.memory_space<hbm>>
    tpu.enqueue_indirect_dma source(%dma_start3A_328 : memref<100000x1024xf32, #tpu.memory_space<hbm>>) target(%dma_start3A_323 : memref<24x1024xf32, #tpu.memory_space<vmem>>) offsets(%dma_start3A_325 : memref<24xi32, #tpu.memory_space<vmem>>) semaphore(%arg9 : memref<!tpu.dma_semaphore, #tpu.memory_space<semaphore_mem>>)
    %dma_wait3A_329 = arith.constant 0 : i32
    %dma_wait3A_330 = arith.constant 0 : i32
    %dma_wait3A_331 = tpu.memref_slice %arg7[%dma_wait3A_329, %dma_wait3A_330] : memref<32x1024xf32, #tpu.memory_space<vmem>> -> memref<32x1024xf32, #tpu.memory_space<vmem>>
    %dma_wait3A_332 = arith.constant 192 : i32
    %dma_wait3A_333 = tpu.memref_slice %arg5[%dma_wait3A_332] : memref<256xi32, #tpu.memory_space<vmem>> -> memref<32xi32, #tpu.memory_space<vmem>>
    %dma_wait3A_334 = arith.constant 0 : i32
    %dma_wait3A_335 = arith.constant 0 : i32
    %dma_wait3A_336 = tpu.memref_slice %arg3[%dma_wait3A_334, %dma_wait3A_335] : memref<100000x1024xf32, #tpu.memory_space<hbm>> -> memref<100000x1024xf32, #tpu.memory_space<hbm>>
    tpu.wait_indirect_dma semaphore(%arg9 : memref<!tpu.dma_semaphore, #tpu.memory_space<semaphore_mem>>) src(%dma_wait3A_336 : memref<100000x1024xf32, #tpu.memory_space<hbm>>) dst(%dma_wait3A_331 : memref<32x1024xf32, #tpu.memory_space<vmem>>)
    %add3A_337 = arith.constant 192 : i32
    %add3A_338 = arith.addi %mul3A_32, %add3A_337 : i32
    %dma_start3A_339 = arith.constant 0 : i32
    %dma_start3A_340 = arith.constant 0 : i32
    %dma_start3A_341 = tpu.memref_slice %arg7[%dma_start3A_339, %dma_start3A_340] : memref<32x1024xf32, #tpu.memory_space<vmem>> -> memref<32x1024xf32, #tpu.memory_space<vmem>>
    %dma_start3A_342 = arith.constant 0 : i32
    %dma_start3A_343 = tpu.memref_slice %arg4[%select_n3A, %add3A_338, %dma_start3A_342] : memref<4x2048x1024xf32, #tpu.memory_space<hbm>> -> memref<1x32x1024xf32, #tpu.memory_space<hbm>>
    %dma_start3A_344 = tpu.memref_squeeze %dma_start3A_343 : memref<1x32x1024xf32, #tpu.memory_space<hbm>> -> memref<32x1024xf32, #tpu.memory_space<hbm>>
    %dma_start3A_345 = arith.constant 0 : i32
    %dma_start3A_346 = tpu.memref_slice %arg4[%select_n3A, %add3A_338, %dma_start3A_345] : memref<4x2048x1024xf32, #tpu.memory_space<hbm>> -> memref<1x32x1024xf32, #tpu.memory_space<hbm>>
    %dma_start3A_347 = tpu.memref_squeeze %dma_start3A_346 : memref<1x32x1024xf32, #tpu.memory_space<hbm>> -> memref<32x1024xf32, #tpu.memory_space<hbm>>
    %dma_start3A_348 = arith.constant 0 : i32
    %dma_start3A_349 = arith.constant 0 : i32
    %dma_start3A_350 = tpu.memref_slice %arg7[%dma_start3A_348, %dma_start3A_349] : memref<32x1024xf32, #tpu.memory_space<vmem>> -> memref<32x1024xf32, #tpu.memory_space<vmem>>
    tpu.enqueue_dma source(%dma_start3A_350 : memref<32x1024xf32, #tpu.memory_space<vmem>>) target(%dma_start3A_347 : memref<32x1024xf32, #tpu.memory_space<hbm>>) target_semaphore(%arg10 : memref<!tpu.dma_semaphore, #tpu.memory_space<semaphore_mem>>)
    %dma_wait3A_351 = arith.constant 0 : i32
    %dma_wait3A_352 = arith.constant 0 : i32
    %dma_wait3A_353 = tpu.memref_slice %arg6[%dma_wait3A_351, %dma_wait3A_352] : memref<32x1024xf32, #tpu.memory_space<vmem>> -> memref<32x1024xf32, #tpu.memory_space<vmem>>
    %dma_wait3A_354 = arith.constant 0 : i32
    %dma_wait3A_355 = tpu.memref_slice %arg4[%select_n3A, %add3A_296, %dma_wait3A_354] : memref<4x2048x1024xf32, #tpu.memory_space<hbm>> -> memref<1x32x1024xf32, #tpu.memory_space<hbm>>
    %dma_wait3A_356 = tpu.memref_squeeze %dma_wait3A_355 : memref<1x32x1024xf32, #tpu.memory_space<hbm>> -> memref<32x1024xf32, #tpu.memory_space<hbm>>
    %dma_wait3A_357 = arith.constant 0 : i32
    %dma_wait3A_358 = tpu.memref_slice %arg4[%select_n3A, %add3A_296, %dma_wait3A_357] : memref<4x2048x1024xf32, #tpu.memory_space<hbm>> -> memref<1x32x1024xf32, #tpu.memory_space<hbm>>
    %dma_wait3A_359 = tpu.memref_squeeze %dma_wait3A_358 : memref<1x32x1024xf32, #tpu.memory_space<hbm>> -> memref<32x1024xf32, #tpu.memory_space<hbm>>
    %dma_wait3A_360 = arith.constant 0 : i32
    %dma_wait3A_361 = arith.constant 0 : i32
    %dma_wait3A_362 = tpu.memref_slice %arg6[%dma_wait3A_360, %dma_wait3A_361] : memref<32x1024xf32, #tpu.memory_space<vmem>> -> memref<32x1024xf32, #tpu.memory_space<vmem>>
    tpu.wait_dma2 semaphore(%arg10 : memref<!tpu.dma_semaphore, #tpu.memory_space<semaphore_mem>>) src(%dma_wait3A_362 : memref<32x1024xf32, #tpu.memory_space<vmem>>) dst(%dma_wait3A_359 : memref<32x1024xf32, #tpu.memory_space<hbm>>)
    %dma_start3A_363 = arith.constant 0 : i32
    %dma_start3A_364 = arith.constant 0 : i32
    %dma_start3A_365 = tpu.memref_slice %arg6[%dma_start3A_363, %dma_start3A_364] : memref<32x1024xf32, #tpu.memory_space<vmem>> -> memref<8x1024xf32, #tpu.memory_space<vmem>>
    %dma_start3A_366 = arith.constant 248 : i32
    %dma_start3A_367 = tpu.memref_slice %arg5[%dma_start3A_366] : memref<256xi32, #tpu.memory_space<vmem>> -> memref<8xi32, #tpu.memory_space<vmem>>
    %dma_start3A_368 = arith.constant 0 : i32
    %dma_start3A_369 = arith.constant 0 : i32
    %dma_start3A_370 = tpu.memref_slice %arg3[%dma_start3A_368, %dma_start3A_369] : memref<100000x1024xf32, #tpu.memory_space<hbm>> -> memref<100000x1024xf32, #tpu.memory_space<hbm>>
    tpu.enqueue_indirect_dma source(%dma_start3A_370 : memref<100000x1024xf32, #tpu.memory_space<hbm>>) target(%dma_start3A_365 : memref<8x1024xf32, #tpu.memory_space<vmem>>) offsets(%dma_start3A_367 : memref<8xi32, #tpu.memory_space<vmem>>) semaphore(%arg9 : memref<!tpu.dma_semaphore, #tpu.memory_space<semaphore_mem>>)
    %dma_wait3A_371 = arith.constant 0 : i32
    %dma_wait3A_372 = arith.constant 0 : i32
    %dma_wait3A_373 = tpu.memref_slice %arg8[%dma_wait3A_371, %dma_wait3A_372] : memref<32x1024xf32, #tpu.memory_space<vmem>> -> memref<24x1024xf32, #tpu.memory_space<vmem>>
    %dma_wait3A_374 = arith.constant 224 : i32
    %dma_wait3A_375 = tpu.memref_slice %arg5[%dma_wait3A_374] : memref<256xi32, #tpu.memory_space<vmem>> -> memref<24xi32, #tpu.memory_space<vmem>>
    %dma_wait3A_376 = arith.constant 0 : i32
    %dma_wait3A_377 = arith.constant 0 : i32
    %dma_wait3A_378 = tpu.memref_slice %arg3[%dma_wait3A_376, %dma_wait3A_377] : memref<100000x1024xf32, #tpu.memory_space<hbm>> -> memref<100000x1024xf32, #tpu.memory_space<hbm>>
    tpu.wait_indirect_dma semaphore(%arg9 : memref<!tpu.dma_semaphore, #tpu.memory_space<semaphore_mem>>) src(%dma_wait3A_378 : memref<100000x1024xf32, #tpu.memory_space<hbm>>) dst(%dma_wait3A_373 : memref<24x1024xf32, #tpu.memory_space<vmem>>)
    %add3A_379 = arith.constant 224 : i32
    %add3A_380 = arith.addi %mul3A_32, %add3A_379 : i32
    %dma_start3A_381 = arith.constant 0 : i32
    %dma_start3A_382 = arith.constant 0 : i32
    %dma_start3A_383 = tpu.memref_slice %arg8[%dma_start3A_381, %dma_start3A_382] : memref<32x1024xf32, #tpu.memory_space<vmem>> -> memref<24x1024xf32, #tpu.memory_space<vmem>>
    %dma_start3A_384 = arith.constant 0 : i32
    %dma_start3A_385 = tpu.memref_slice %arg4[%select_n3A, %add3A_380, %dma_start3A_384] : memref<4x2048x1024xf32, #tpu.memory_space<hbm>> -> memref<1x24x1024xf32, #tpu.memory_space<hbm>>
    %dma_start3A_386 = tpu.memref_squeeze %dma_start3A_385 : memref<1x24x1024xf32, #tpu.memory_space<hbm>> -> memref<24x1024xf32, #tpu.memory_space<hbm>>
    %dma_start3A_387 = arith.constant 0 : i32
    %dma_start3A_388 = tpu.memref_slice %arg4[%select_n3A, %add3A_380, %dma_start3A_387] : memref<4x2048x1024xf32, #tpu.memory_space<hbm>> -> memref<1x24x1024xf32, #tpu.memory_space<hbm>>
    %dma_start3A_389 = tpu.memref_squeeze %dma_start3A_388 : memref<1x24x1024xf32, #tpu.memory_space<hbm>> -> memref<24x1024xf32, #tpu.memory_space<hbm>>
    %dma_start3A_390 = arith.constant 0 : i32
    %dma_start3A_391 = arith.constant 0 : i32
    %dma_start3A_392 = tpu.memref_slice %arg8[%dma_start3A_390, %dma_start3A_391] : memref<32x1024xf32, #tpu.memory_space<vmem>> -> memref<24x1024xf32, #tpu.memory_space<vmem>>
    tpu.enqueue_dma source(%dma_start3A_392 : memref<24x1024xf32, #tpu.memory_space<vmem>>) target(%dma_start3A_389 : memref<24x1024xf32, #tpu.memory_space<hbm>>) target_semaphore(%arg10 : memref<!tpu.dma_semaphore, #tpu.memory_space<semaphore_mem>>)
    %dma_wait3A_393 = arith.constant 0 : i32
    %dma_wait3A_394 = arith.constant 0 : i32
    %dma_wait3A_395 = tpu.memref_slice %arg6[%dma_wait3A_393, %dma_wait3A_394] : memref<32x1024xf32, #tpu.memory_space<vmem>> -> memref<8x1024xf32, #tpu.memory_space<vmem>>
    %dma_wait3A_396 = arith.constant 248 : i32
    %dma_wait3A_397 = tpu.memref_slice %arg5[%dma_wait3A_396] : memref<256xi32, #tpu.memory_space<vmem>> -> memref<8xi32, #tpu.memory_space<vmem>>
    %dma_wait3A_398 = arith.constant 0 : i32
    %dma_wait3A_399 = arith.constant 0 : i32
    %dma_wait3A_400 = tpu.memref_slice %arg3[%dma_wait3A_398, %dma_wait3A_399] : memref<100000x1024xf32, #tpu.memory_space<hbm>> -> memref<100000x1024xf32, #tpu.memory_space<hbm>>
    tpu.wait_indirect_dma semaphore(%arg9 : memref<!tpu.dma_semaphore, #tpu.memory_space<semaphore_mem>>) src(%dma_wait3A_400 : memref<100000x1024xf32, #tpu.memory_space<hbm>>) dst(%dma_wait3A_395 : memref<8x1024xf32, #tpu.memory_space<vmem>>)
    %add3A_401 = arith.constant 248 : i32
    %add3A_402 = arith.addi %mul3A_32, %add3A_401 : i32
    %dma_start3A_403 = arith.constant 0 : i32
    %dma_start3A_404 = arith.constant 0 : i32
    %dma_start3A_405 = tpu.memref_slice %arg6[%dma_start3A_403, %dma_start3A_404] : memref<32x1024xf32, #tpu.memory_space<vmem>> -> memref<8x1024xf32, #tpu.memory_space<vmem>>
    %dma_start3A_406 = arith.constant 0 : i32
    %dma_start3A_407 = tpu.memref_slice %arg4[%select_n3A, %add3A_402, %dma_start3A_406] : memref<4x2048x1024xf32, #tpu.memory_space<hbm>> -> memref<1x8x1024xf32, #tpu.memory_space<hbm>>
    %dma_start3A_408 = tpu.memref_squeeze %dma_start3A_407 : memref<1x8x1024xf32, #tpu.memory_space<hbm>> -> memref<8x1024xf32, #tpu.memory_space<hbm>>
    %dma_start3A_409 = arith.constant 0 : i32
    %dma_start3A_410 = tpu.memref_slice %arg4[%select_n3A, %add3A_402, %dma_start3A_409] : memref<4x2048x1024xf32, #tpu.memory_space<hbm>> -> memref<1x8x1024xf32, #tpu.memory_space<hbm>>
    %dma_start3A_411 = tpu.memref_squeeze %dma_start3A_410 : memref<1x8x1024xf32, #tpu.memory_space<hbm>> -> memref<8x1024xf32, #tpu.memory_space<hbm>>
    %dma_start3A_412 = arith.constant 0 : i32
    %dma_start3A_413 = arith.constant 0 : i32
    %dma_start3A_414 = tpu.memref_slice %arg6[%dma_start3A_412, %dma_start3A_413] : memref<32x1024xf32, #tpu.memory_space<vmem>> -> memref<8x1024xf32, #tpu.memory_space<vmem>>
    tpu.enqueue_dma source(%dma_start3A_414 : memref<8x1024xf32, #tpu.memory_space<vmem>>) target(%dma_start3A_411 : memref<8x1024xf32, #tpu.memory_space<hbm>>) target_semaphore(%arg10 : memref<!tpu.dma_semaphore, #tpu.memory_space<semaphore_mem>>)
    %dma_wait3A_415 = arith.constant 0 : i32
    %dma_wait3A_416 = arith.constant 0 : i32
    %dma_wait3A_417 = tpu.memref_slice %arg7[%dma_wait3A_415, %dma_wait3A_416] : memref<32x1024xf32, #tpu.memory_space<vmem>> -> memref<32x1024xf32, #tpu.memory_space<vmem>>
    %dma_wait3A_418 = arith.constant 0 : i32
    %dma_wait3A_419 = tpu.memref_slice %arg4[%select_n3A, %add3A_338, %dma_wait3A_418] : memref<4x2048x1024xf32, #tpu.memory_space<hbm>> -> memref<1x32x1024xf32, #tpu.memory_space<hbm>>
    %dma_wait3A_420 = tpu.memref_squeeze %dma_wait3A_419 : memref<1x32x1024xf32, #tpu.memory_space<hbm>> -> memref<32x1024xf32, #tpu.memory_space<hbm>>
    %dma_wait3A_421 = arith.constant 0 : i32
    %dma_wait3A_422 = tpu.memref_slice %arg4[%select_n3A, %add3A_338, %dma_wait3A_421] : memref<4x2048x1024xf32, #tpu.memory_space<hbm>> -> memref<1x32x1024xf32, #tpu.memory_space<hbm>>
    %dma_wait3A_423 = tpu.memref_squeeze %dma_wait3A_422 : memref<1x32x1024xf32, #tpu.memory_space<hbm>> -> memref<32x1024xf32, #tpu.memory_space<hbm>>
    %dma_wait3A_424 = arith.constant 0 : i32
    %dma_wait3A_425 = arith.constant 0 : i32
    %dma_wait3A_426 = tpu.memref_slice %arg7[%dma_wait3A_424, %dma_wait3A_425] : memref<32x1024xf32, #tpu.memory_space<vmem>> -> memref<32x1024xf32, #tpu.memory_space<vmem>>
    tpu.wait_dma2 semaphore(%arg10 : memref<!tpu.dma_semaphore, #tpu.memory_space<semaphore_mem>>) src(%dma_wait3A_426 : memref<32x1024xf32, #tpu.memory_space<vmem>>) dst(%dma_wait3A_423 : memref<32x1024xf32, #tpu.memory_space<hbm>>)
    %dma_wait3A_427 = arith.constant 0 : i32
    %dma_wait3A_428 = arith.constant 0 : i32
    %dma_wait3A_429 = tpu.memref_slice %arg8[%dma_wait3A_427, %dma_wait3A_428] : memref<32x1024xf32, #tpu.memory_space<vmem>> -> memref<24x1024xf32, #tpu.memory_space<vmem>>
    %dma_wait3A_430 = arith.constant 0 : i32
    %dma_wait3A_431 = tpu.memref_slice %arg4[%select_n3A, %add3A_380, %dma_wait3A_430] : memref<4x2048x1024xf32, #tpu.memory_space<hbm>> -> memref<1x24x1024xf32, #tpu.memory_space<hbm>>
    %dma_wait3A_432 = tpu.memref_squeeze %dma_wait3A_431 : memref<1x24x1024xf32, #tpu.memory_space<hbm>> -> memref<24x1024xf32, #tpu.memory_space<hbm>>
    %dma_wait3A_433 = arith.constant 0 : i32
    %dma_wait3A_434 = tpu.memref_slice %arg4[%select_n3A, %add3A_380, %dma_wait3A_433] : memref<4x2048x1024xf32, #tpu.memory_space<hbm>> -> memref<1x24x1024xf32, #tpu.memory_space<hbm>>
    %dma_wait3A_435 = tpu.memref_squeeze %dma_wait3A_434 : memref<1x24x1024xf32, #tpu.memory_space<hbm>> -> memref<24x1024xf32, #tpu.memory_space<hbm>>
    %dma_wait3A_436 = arith.constant 0 : i32
    %dma_wait3A_437 = arith.constant 0 : i32
    %dma_wait3A_438 = tpu.memref_slice %arg8[%dma_wait3A_436, %dma_wait3A_437] : memref<32x1024xf32, #tpu.memory_space<vmem>> -> memref<24x1024xf32, #tpu.memory_space<vmem>>
    tpu.wait_dma2 semaphore(%arg10 : memref<!tpu.dma_semaphore, #tpu.memory_space<semaphore_mem>>) src(%dma_wait3A_438 : memref<24x1024xf32, #tpu.memory_space<vmem>>) dst(%dma_wait3A_435 : memref<24x1024xf32, #tpu.memory_space<hbm>>)
    %dma_wait3A_439 = arith.constant 0 : i32
    %dma_wait3A_440 = arith.constant 0 : i32
    %dma_wait3A_441 = tpu.memref_slice %arg6[%dma_wait3A_439, %dma_wait3A_440] : memref<32x1024xf32, #tpu.memory_space<vmem>> -> memref<8x1024xf32, #tpu.memory_space<vmem>>
    %dma_wait3A_442 = arith.constant 0 : i32
    %dma_wait3A_443 = tpu.memref_slice %arg4[%select_n3A, %add3A_402, %dma_wait3A_442] : memref<4x2048x1024xf32, #tpu.memory_space<hbm>> -> memref<1x8x1024xf32, #tpu.memory_space<hbm>>
    %dma_wait3A_444 = tpu.memref_squeeze %dma_wait3A_443 : memref<1x8x1024xf32, #tpu.memory_space<hbm>> -> memref<8x1024xf32, #tpu.memory_space<hbm>>
    %dma_wait3A_445 = arith.constant 0 : i32
    %dma_wait3A_446 = tpu.memref_slice %arg4[%select_n3A, %add3A_402, %dma_wait3A_445] : memref<4x2048x1024xf32, #tpu.memory_space<hbm>> -> memref<1x8x1024xf32, #tpu.memory_space<hbm>>
    %dma_wait3A_447 = tpu.memref_squeeze %dma_wait3A_446 : memref<1x8x1024xf32, #tpu.memory_space<hbm>> -> memref<8x1024xf32, #tpu.memory_space<hbm>>
    %dma_wait3A_448 = arith.constant 0 : i32
    %dma_wait3A_449 = arith.constant 0 : i32
    %dma_wait3A_450 = tpu.memref_slice %arg6[%dma_wait3A_448, %dma_wait3A_449] : memref<32x1024xf32, #tpu.memory_space<vmem>> -> memref<8x1024xf32, #tpu.memory_space<vmem>>
    tpu.wait_dma2 semaphore(%arg10 : memref<!tpu.dma_semaphore, #tpu.memory_space<semaphore_mem>>) src(%dma_wait3A_450 : memref<8x1024xf32, #tpu.memory_space<vmem>>) dst(%dma_wait3A_447 : memref<8x1024xf32, #tpu.memory_space<hbm>>)
    return
  }
}

</mosaic_0001>

<sc_bundles>
// kernel: kernel.3.cloned.1.call-start
scs
__scs_entry_jumppad:
0x0: {  	(pc) =	sbr.rel $0x88, $3  }
0x1: {  	(tag) =	ssettag $0x0;
	lr =	simm.s32 $0x1  }
0x2: {  	[smem:$0x3F9F] =	sst lr;
	_ =	strace $0xD0000000  }
0x3: {  	_ = 	snop  }
0x4: {  	_ = 	snop  }
0x5: {  	_ = 	snop  }
0x6: {  	_ = 	snop  }
0x7: {  	_ = 	snop  }
__scs_overlays_trampoline_lowered:
0x8: {  	[smem:$0x3FAE] =	sst s0  }
0x9: {  	[smem:$0x3FAF] =	sst s1  }
0xa: {  	[smem:$0x3FB0] =	sst s2  }
0xb: {  	[smem:$0x3FB1] =	sst s3  }
0xc: {  	[smem:$0x3FB2] =	sst s4  }
0xd: {  	[smem:$0x3FB3] =	sst s5  }
0xe: {  	[smem:$0x3FB4] =	sst s6  }
0xf: {  	[smem:$0x3FB5] =	sst s7  }
0x10: {  	[smem:$0x3FB6] =	sst s8  }
0x11: {  	[smem:$0x3FB7] =	sst s9;
	s0 =	simm.s32 @!p0 $0x0  }
0x12: {  	s1 =	sld [smem:$0x3F9D];
	s0 =	simm.s32 @p0 $0x1  }
0x13: {  	[smem:$0x3FB8] =	sst s0;
	s0 =	simm.s32 @!p1 $0x0  }
0x14: {  	s2 =	sld [smem:$0x3F9C];
	s0 =	simm.s32 @p1 $0x1  }
0x15: {  	[smem:$0x3FB9] =	sst s0;
	s0 =	simm.s32 @!p2 $0x0  }
0x16: {  	s3 =	sld [smem:$0x3FDB];
	s0 =	simm.s32 @p2 $0x1  }
0x17: {  	s4 =	simm.s32 $0x1BF5;
	[smem:$0x3FBB] =	sst s0  }
0x18: {  	s0 =	sld [smem:$0x3F9E];
	_ =	swait.ge [sflag:s4], $0x0  }
0x19: {  	s7 =	sld [smem:$0x3F9F]  }
0x1a: {  	s8 =	sadd.s32 $0xFFFFE003, lr  }
0x1b: {  	s9 =	sadd.s32 $0xFFFFFEF7, lr;
	s5 =	simm.s32 $0xFFFFFFFF;
	p2 =	slt.u32 s8, $0xFFFFF086  }
0x1c: {  	p1 =	slt.u32 s9, $0xF7A;
	s5 =	simm.s32 @!p2 $0x0  }
0x1d: {  	s5 =	simm.s32 @p1 $0x1;
	p0 =	seq.s32 s7, s2  }
0x1e: {  	s7 =	smul.u32 @!p0 $0xF7A, s2;
	p2 =	seq.s32 @!p0 s5, $0x0  }
0x1f: {  	s9 =	smul.u32 $0xF7A, s1;
	s8 =	simm.s32 @!p0 $0x1BF5;
	p2 =	por !p2, p0  }
0x20: {  	[sflag:s8] =	ssyncset.s32 @!p0 $0xFFFFF086;
	s6 =	sadd.s32 @!p0 s3, s7;
	s7 =	simm.s32 @!p0 $0x108  }
0x21: {  	s3 =	sadd.s32 s3, s9;
	s6 =	sadd.s32 @!p0 $0x88, s6;
	s7 =	simm.s32 @p2 $0x1082  }
0x22: {  	[simem:s7], [sflag:s8] =	dma.local @!p0 [hbm:s6], $0xF7A  }
0x23: {  	s9 =	sor.u32 $0xD0000000, s2;
	s6 =	simm.s32 $0x108;
	_ =	swait.ge @!p0 [sflag:s8], $0x0  }
0x24: {  	s3 =	sadd.s32 $0x88, s3;
	s6 =	simm.s32 @!p1 $0x1082;
	[sflag:s4] =	ssyncset.s32 $0xFFFFF086  }
0x25: {  	[simem:s6], [sflag:s4] =	dma.local [hbm:s3], $0xF7A  }
0x26: {  	[smem:$0x3F9F] =	sst s1;
	(tag) =	ssettag s2;
	_ =	strace s9  }
0x27: {  	s1 =	sld [smem:$0x3FAF]  }
0x28: {  	s2 =	sld [smem:$0x3FB0]  }
0x29: {  	s4 =	sld [smem:$0x3FB2]  }
0x2a: {  	p0 =	seq.s32 s5, $0x0;
	s5 =	sld [smem:$0x3FB3]  }
0x2b: {  	s6 =	sld [smem:$0x3FB4]  }
0x2c: {  	s7 =	sld [smem:$0x3FB5]  }
0x2d: {  	s3 =	simm.s32 $0x108;
	s8 =	sld [smem:$0x3FB6]  }
0x2e: {  	s3 =	simm.s32 @!p0 $0x1082;
	s9 =	sld [smem:$0x3FB7]  }
0x2f: {  	lr =	sadd.s32 s0, s3;
	s0 =	sld [smem:$0x3FAE]  }
0x30: {  	s3 =	sld [smem:$0x3FB1]  }
0x31: {  	[smem:$0x3FBA] =	sst s10  }
0x32: {  	s10 =	sld [smem:$0x3FB8];
	_ =	sdelay $0x3  }
0x33: {  	p0 =	seq.s32 s10, $0x1;
	s10 =	sld [smem:$0x3FBA];
	_ =	sdelay $0x3  }
0x34: {  	[smem:$0x3FBA] =	sst s10  }
0x35: {  	s10 =	sld [smem:$0x3FB9];
	_ =	sdelay $0x3  }
0x36: {  	p1 =	seq.s32 s10, $0x1;
	s10 =	sld [smem:$0x3FBA];
	_ =	sdelay $0x3  }
0x37: {  	[smem:$0x3FBA] =	sst s10  }
0x38: {  	s10 =	sld [smem:$0x3FBB]  }
0x39: {  	_ = 	snop;
	(pc) =	sbr.ind lr, $3  }
0x3a: {  	_ = 	snop  }
0x3b: {  	_ = 	snop  }
0x3c: {  	p2 =	seq.s32 s10, $0x1;
	s10 =	sld [smem:$0x3FBA]  }
0x3d: {  	_ =	shalt  }
0x3e: {  	_ =	shalt  }
0x3f: {  	_ =	shalt  }
0x40: {  	_ =	shalt  }
0x41: {  	_ =	shalt  }
0x42: {  	_ =	shalt  }
0x43: {  	_ =	shalt  }
0x44: {  	_ =	shalt  }
0x45: {  	_ =	shalt  }
0x46: {  	_ =	shalt  }
0x47: {  	_ =	shalt  }
0x48: {  	_ =	shalt  }
0x49: {  	_ =	shalt  }
0x4a: {  	_ =	shalt  }
0x4b: {  	_ =	shalt  }
0x4c: {  	_ =	shalt  }
0x4d: {  	_ =	shalt  }
0x4e: {  	_ =	shalt  }
0x4f: {  	_ =	shalt  }
0x50: {  	_ =	shalt  }
0x51: {  	_ =	shalt  }
0x52: {  	_ =	shalt  }
0x53: {  	_ =	shalt  }
0x54: {  	_ =	shalt  }
0x55: {  	_ =	shalt  }
0x56: {  	_ =	shalt  }
0x57: {  	_ =	shalt  }
0x58: {  	_ =	shalt  }
0x59: {  	_ =	shalt  }
0x5a: {  	_ =	shalt  }
0x5b: {  	_ =	shalt  }
0x5c: {  	_ =	shalt  }
0x5d: {  	_ =	shalt  }
0x5e: {  	_ =	shalt  }
0x5f: {  	_ =	shalt  }
0x60: {  	_ =	shalt  }
0x61: {  	_ =	shalt  }
0x62: {  	_ =	shalt  }
0x63: {  	_ =	shalt  }
0x64: {  	_ =	shalt  }
0x65: {  	_ =	shalt  }
0x66: {  	_ =	shalt  }
0x67: {  	_ =	shalt  }
0x68: {  	_ =	shalt  }
0x69: {  	_ =	shalt  }
0x6a: {  	_ =	shalt  }
0x6b: {  	_ =	shalt  }
0x6c: {  	_ =	shalt  }
0x6d: {  	_ =	shalt  }
0x6e: {  	_ =	shalt  }
0x6f: {  	_ =	shalt  }
0x70: {  	_ =	shalt  }
0x71: {  	_ =	shalt  }
0x72: {  	_ =	shalt  }
0x73: {  	_ =	shalt  }
0x74: {  	_ =	shalt  }
0x75: {  	_ =	shalt  }
0x76: {  	_ =	shalt  }
0x77: {  	_ =	shalt  }
0x78: {  	_ =	shalt  }
0x79: {  	_ =	shalt  }
0x7a: {  	_ =	shalt  }
0x7b: {  	_ =	shalt  }
0x7c: {  	_ =	shalt  }
0x7d: {  	_ =	shalt  }
0x7e: {  	_ =	shalt  }
0x7f: {  	_ =	shalt  }
0x80: {  	_ =	shalt  }
0x81: {  	_ =	shalt  }
0x82: {  	_ =	shalt  }
0x83: {  	_ =	shalt  }
0x84: {  	_ =	shalt  }
0x85: {  	_ =	shalt  }
0x86: {  	_ =	shalt  }
0x87: {  	_ =	shalt  }
.Lfunc_end0:
.L_simem_size_0:
called_computation_lowered:
.L_overlay_start_0:
0x88: {  	s2 =	sld [smem:$0x3FD9]  }
0x89: {  	s3 =	sld [smem:$0x3FFE];
	_ =	sdelay $0x1  }
0x8a: {  	s1 =	srdreg.scid  }
0x8b: {  	s0 =	sand.u32 $0x1, s1  }
0x8c: {  	s18 =	sshll.u32 s0, $0xA;
	s2 =	sadd.s32 s3, s2  }
0x8d: {  	s2 =	sadd.s32 s2, s18  }
0x8e: {  	[smem:$0x3FC6] =	sst s2  }
0x8f: {  	_ = 	snop  }
0x90: {  	s2 =	sld [smem:$0x3FC9]  }
0x91: {  	s19 =	sld [smem:$0x3FC8]  }
0x92: {  	s4 =	sld [smem:$0x3FD0];
	(tm) =	ssettm $0x1  }
0x93: {  	s5 =	sld [smem:$0x3FFB];
	_ =	sdelay $0x3  }
0x94: {  	_ =	strace s5  }
0x95: {  	s5 =	sld [smem:$0x3FFC];
	_ =	sdelay $0x3  }
0x96: {  	_ =	strace s5  }
0x97: {  	s5 =	sld [smem:$0x3FFD];
	_ =	sdelay $0x3  }
0x98: {  	_ =	strace s5  }
0x99: {  	_ =	strace $0x8FFFFFFF  }
0x9a: {  	s20 =	sld [smem:$0x3FDB];
	_ =	sdelay $0x1  }
0x9b: {  	s6 =	simm.s32 $_scs_section_size  }
0x9c: {  	s7 =	simm.s32 $_size__tile_overlayer_lowered;
	s8 =	simm.s32 $_tile_overlayer_lowered  }
0x9d: {  	s23 =	simm.s32 $0x1BFF;
	s22 =	sshll.u32 s8, $0x1;
	s5 =	sadd.s32 s6, s20  }
0x9e: {  	s9 =	simm.s32 $0x0;
	s21 =	sshll.u32 s7, $0x1;
	s7 =	sadd.s32 s22, s5  }
0x9f: {  	[timem:s9], [sflag:s23] =	dma.local [hbm:s7], s21  }
0xa0: {  	_ =	swait.ge [sflag:s23], s21  }
0xa1: {  	s6 =	ssub.s32 $0x0, s21;
	[sflag:s23] =	ssyncset.done $0x0  }
0xa2: {  	[sflag:s23] =	ssyncadd.s32 s6;
	_ =	sdelay $0x1  }
0xa3: {  	s24 =	simm.s32 $0x1B8B  }
0xa4: {  	_ =	swait.ge [sflag:s24], $0x1  }
0xa5: {  	[sflag:s24] =	ssyncset.done $0x0  }
0xa6: {  	s25 =	simm.s32 $0x1B8E;
	[sflag:s24] =	ssyncadd.s32 $0xFFFFFFFF  }
0xa7: {  	s26 =	simm.s32 $execute0_lowered;
	[smem:$0x3FD2] =	sst s25  }
0xa8: {  	s6 =	sshll.u32 s26, $0x1;
	_ =	strace $0x80000046;
	[dreg:$0x1] =	wrdreg $0xFFFFFFFF  }
0xa9: {  	s28 =	simm.s32 $_size_execute0_lowered;
	s5 =	sadd.s32 s5, s6;
	[dreg:$0x0] =	wrdreg $0x0  }
0xaa: {  	s6 =	sshll.u32 s28, $0x1;
	[dreg:$0x2] =	wrdreg s5  }
0xab: {  	[dreg:$0x3] =	wrdreg s6  }
0xac: {  	[dreg:$0x4] =	wrdreg $0xC0  }
0xad: {  	_ =	task [dreg:s9], $0x5FFFF  }
0xae: {  	[dreg:$0x1] =	wrdreg $0xFFFFFFFF  }
0xaf: {  	[dreg:$0x0] =	wrdreg $0x60  }
0xb0: {  	[dreg:$0x2] =	wrdreg s2  }
0xb1: {  	[dreg:$0x3] =	wrdreg s19  }
0xb2: {  	[dreg:$0x4] =	wrdreg s4  }
0xb3: {  	[dreg:$0x5] =	wrdreg $0x9  }
0xb4: {  	_ =	task.clear_ibuf [dreg:s9], $0x6FFFF;
	_ =	strace $0x90000046  }
0xb5: {  	s29 =	simm.s32 $0x9;
	_ =	strace $0x80000048  }
0xb6: {  	_ =	swait.ge [sflag:s29], $0x1  }
0xb7: {  	[sflag:s29] =	ssyncadd.s32 $0xFFFFFFFF  }
0xb8: {  	_ =	strace $0x90000048  }
0xb9: {  	_ =	sfence  }
0xba: {  	s30 =	sld [smem:$0x0];
	_ =	sdelay $0x2  }
0xbb: {  	s31 =	sshll.u32 s1, $0xD;
	s1 =	sshrl.u32 s1, $0x2  }
0xbc: {  	s3 =	sand.u32 $0x4000, s31;
	s1 =	sadd.s32 s1, s30  }
0xbd: {  	s0 =	sor.u32 s3, s0;
	s1 =	sshll.u32 s1, $0x11  }
0xbe: {  	s0 =	sor.u32 s1, s0  }
0xbf: {  	s0 =	sadd.s32 $0x8F2B, s0  }
0xc0: {  	[sflag:s0] =	ssyncadd.remote.s32 $0x1  }
0xc1: {  	_ =	sfence.sel $0xFFFF  }
0xc2: {  	[dreg:$0x0] =	wrdreg $0xFFFFFFFF;
	(pc) =	sbr.abs _section_cstart, $3  }
0xc3: {  	[dreg:$0x1] =	wrdreg $0xFFFFFFFF  }
0xc4: {  	_ =	task.clear_ibuf [dreg:s9], $0x2FFFF;
	_ =	strace $0x9FFFFFFF  }
0xc5: {  	(tm) =	ssettm $0x7FFFFFFF  }
tec
execute0_lowered:
.L_overlay_start_1:
0x0: {  	(tag) =	ssettag $0x1  }
0x1: {  	s0 =	rddreg [dreg:$0x0]  }
0x2: {  	s2 =	rddreg [dreg:$0x1]  }
0x3: {  	s1 =	rddreg [dreg:$0x2]  }
0x4: {  	s6 =	stileid.u32;
	s4 =	srdreg.scid;
	s3 =	simm.s32 $0x0  }
0x5: {  	s30 =	simm.s32 $0x80;
	s31 =	simm.s32 $0x200;
	s28 =	simm.s32 $0x8100  }
0x6: {  	s14 =	simm.s32 $0x3900;
	s15 =	simm.s32 $0x4100;
	s5 =	sshll.u32 s6, $0x1  }
0x7: {  	s4 =	sand.u32 $0x1, s4;
	[smem:$0x7FF] =	sst s3;
	s6 =	sshrl.u32 s6, $0x2  }
0x8: {  	s5 =	sand.u32 $0x6, s5;
	s8 =	sshll.u32 s6, $0x4;
	s6 =	sshll.u32 s6, $0x12  }
0x9: {  	_ =	strace $0x80000047;
	[dreg:$0xe] =	wrdreg s30;
	s5 =	sor.u32 s4, s5  }
0xa: {  	s0 =	sadd.s32 s0, s8;
	s7 =	sshll.u32 s5, $0xF;
	s5 =	sshll.u32 s5, $0x7  }
0xb: {  	[dreg:$0xf] =	wrdreg s31;
	s6 =	sor.u32 s6, s7;
	s0 =	sadd.s32 s5, s0  }
0xc: {  	s16 =	simm.s32 $0x4900;
	s17 =	sadd.s32 s1, s6;
	[dreg:$0x4] =	wrdreg s0  }
0xd: {  	s24 =	ssub.s32 $0x2, s4;
	s18 =	sadd.s32 $0x400, s17;
	[dreg:$0x10] =	wrdreg s17  }
0xe: {  	s4 =	sshrl.u32 s24, $0x1;
	s19 =	sadd.s32 $0x1000, s17;
	[dreg:$0x5] =	wrdreg s18  }
0xf: {  	s5 =	sadd.s32 $0x100, s2;
	s20 =	sadd.s32 $0x2000, s17;
	[dreg:$0x6] =	wrdreg s19  }
0x10: {  	s7 =	sadd.s32 $0x300, s2;
	s21 =	sadd.s32 $0x3000, s17;
	[dreg:$0x7] =	wrdreg s20  }
0x11: {  	s1 =	ssub.s32 s24, s4;
	s22 =	sadd.s32 $0x4000, s17;
	[dreg:$0x8] =	wrdreg s21  }
0x12: {  	s6 =	sadd.s32 $0x200, s2;
	s23 =	sadd.s32 $0x5000, s17;
	[dreg:$0x9] =	wrdreg s22  }
0x13: {  	s0 =	simm.s32 $0x100;
	s25 =	sadd.s32 $0x6000, s17;
	[dreg:$0xa] =	wrdreg s23  }
0x14: {  	s24 =	simm.s32 $0x7900;
	s26 =	sadd.s32 $0x7000, s17;
	[dreg:$0xb] =	wrdreg s25  }
0x15: {  	v2 =	vlaneseq.u32;
	s29 =	sadd.s32 $0x7C00, s17;
	s8 =	smax.u32 s1, $0x1;
	[dreg:$0xc] =	wrdreg s26  }
0x16: {  	vm0 =	vmmov $0xffff;
	v1 =	vshrl.u32 v2, $0x3;
	s17 =	simm.s32 $0x5100;
	[dreg:$0xd] =	wrdreg s29;
	s26 =	simm.s32 $0x1  }
0x17: {  	v0 =	vand.u32 $0x7, v2;
	v2 =	vor.u32 $0x8, v2;
	v1 =	vmul.u32 $0x8, v1;
	s19 =	simm.s32 $0x2;
	s18 =	simm.s32 $0x5900;
	s23 =	simm.s32 $0x7100  }
.LBB2_1:
0x18: {  	s20 =	rddreg [dreg:$0x4]  }
0x19: {  	s21 =	rddreg [dreg:$0xe]  }
0x1a: {  	s22 =	rddreg [dreg:$0xf];
	s12 =	simm.s32 $0x3  }
0x1b: {  	[tilespmem:s3], [sflag:$0x3] =	stream.strided.gather [hbm4b:s20+s21], $0x100, s22, s21, $0x38;
	[tilespmem:$0x18100] =	vst v63  }
0x1c: {  	_ =	swait.ge [sflag:s12], $0x100  }
0x1d: {  	[sflag:s12] =	ssyncset.done $0x0  }
0x1e: {  	[sflag:s12] =	ssyncadd.s32 $0xFFFFFF00  }
0x1f: {  	v3 =	vld.msk [tilespmem:$0x0], $0xff;
	_ =	sdelay $0x4  }
0x20: {  	v4 =	vshll.u32 v3, $0x3  }
0x21: {  	v3 =	vand.u32 $0x7, v3;
	v4 =	vand.u32 $0xFFFFFFC0, v4  }
0x22: {  	v3 =	vor.u32 v3, v4  }
0x23: {  	v3 =	vperm.xlane v3, v0;
	_ =	sdelay $0x1  }
0x24: {  	v3 =	vadd.s32 v1, v3;
	_ =	sdelay $0x4  }
0x25: {  	[tilespmem:s0], [sflag:$0x1] =	stream.indirect_vreg.gather [hbm4b:s2+s3], $0x80, v3, vm0, $0xb8;
	[tilespmem:$0x18100] =	vst v63  }
0x26: {  	s1 =	simm.s32 $0x900  }
0x27: {  	[tilespmem:s1], [sflag:$0x1] =	stream.indirect_vreg.gather [hbm4b:s5+s3], $0x80, v3, vm0, $0xb8;
	[tilespmem:$0x18100] =	vst v63  }
0x28: {  	s13 =	simm.s32 $0x1100  }
0x29: {  	[tilespmem:s13], [sflag:$0x1] =	stream.indirect_vreg.gather [hbm4b:s6+s3], $0x80, v3, vm0, $0xb8;
	[tilespmem:$0x18100] =	vst v63  }
0x2a: {  	s20 =	simm.s32 $0x1900  }
0x2b: {  	[tilespmem:s20], [sflag:$0x1] =	stream.indirect_vreg.gather [hbm4b:s7+s3], $0x80, v3, vm0, $0xb8;
	[tilespmem:$0x18100] =	vst v63  }
0x2c: {  	v3 =	vld [tilespmem:$0x8];
	_ =	sdelay $0x4  }
0x2d: {  	v47 =	vshll.u32 v3, $0x3  }
0x2e: {  	v3 =	vand.u32 $0x7, v3;
	v4 =	vand.u32 $0xFFFFFFC0, v47  }
0x2f: {  	v3 =	vor.u32 v3, v4  }
0x30: {  	v4 =	vperm.xlane v3, v0;
	_ =	sdelay $0x1  }
0x31: {  	v4 =	vadd.s32 v1, v4;
	_ =	sdelay $0x4  }
0x32: {  	[tilespmem:s28], [sflag:$0x1] =	stream.indirect_vreg.gather [hbm4b:s2+s3], $0x80, v4, vm0, $0xb8;
	[tilespmem:$0x18100] =	vst v63  }
0x33: {  	s21 =	simm.s32 $0x8900;
	v3 =	vperm.xlane v3, v2  }
0x34: {  	[tilespmem:s21], [sflag:$0x1] =	stream.indirect_vreg.gather [hbm4b:s5+s3], $0x80, v4, vm0, $0xb8;
	[tilespmem:$0x18100] =	vst v63  }
0x35: {  	s22 =	simm.s32 $0x9100;
	v3 =	vadd.s32 v1, v3  }
0x36: {  	[tilespmem:s22], [sflag:$0x1] =	stream.indirect_vreg.gather [hbm4b:s6+s3], $0x80, v4, vm0, $0xb8;
	[tilespmem:$0x18100] =	vst v63  }
0x37: {  	s29 =	simm.s32 $0x9900  }
0x38: {  	[tilespmem:s29], [sflag:$0x1] =	stream.indirect_vreg.gather [hbm4b:s7+s3], $0x80, v4, vm0, $0xb8;
	[tilespmem:$0x18100] =	vst v63  }
0x39: {  	s30 =	simm.s32 $0xA100  }
0x3a: {  	[tilespmem:s30], [sflag:$0x1] =	stream.indirect_vreg.gather [hbm4b:s2+s3], $0x80, v3, vm0, $0xb8;
	[tilespmem:$0x18100] =	vst v63  }
0x3b: {  	s4 =	simm.s32 $0xA900  }
0x3c: {  	[tilespmem:s4], [sflag:$0x1] =	stream.indirect_vreg.gather [hbm4b:s5+s3], $0x80, v3, vm0, $0xb8;
	[tilespmem:$0x18100] =	vst v63  }
0x3d: {  	s9 =	simm.s32 $0xB100  }
0x3e: {  	[tilespmem:s9], [sflag:$0x1] =	stream.indirect_vreg.gather [hbm4b:s6+s3], $0x80, v3, vm0, $0xb8;
	[tilespmem:$0x18100] =	vst v63  }
0x3f: {  	s10 =	simm.s32 $0xB900  }
0x40: {  	[tilespmem:s10], [sflag:$0x1] =	stream.indirect_vreg.gather [hbm4b:s7+s3], $0x80, v3, vm0, $0xb8;
	[tilespmem:$0x18100] =	vst v63  }
0x41: {  	v3 =	vld.msk [tilespmem:$0x18], $0xff;
	_ =	sdelay $0x4  }
0x42: {  	v48 =	vshll.u32 v3, $0x3  }
0x43: {  	v3 =	vand.u32 $0x7, v3;
	v4 =	vand.u32 $0xFFFFFFC0, v48  }
0x44: {  	v3 =	vor.u32 v3, v4  }
0x45: {  	v3 =	vperm.xlane v3, v0;
	_ =	sdelay $0x1  }
0x46: {  	v3 =	vadd.s32 v1, v3;
	_ =	sdelay $0x3  }
0x47: {  	s20 =	simm.s32 $0xC100  }
0x48: {  	[tilespmem:s20], [sflag:$0x1] =	stream.indirect_vreg.gather [hbm4b:s2+s3], $0x80, v3, vm0, $0xb8;
	[tilespmem:$0x18100] =	vst v63  }
0x49: {  	s21 =	simm.s32 $0xC900  }
0x4a: {  	[tilespmem:s21], [sflag:$0x1] =	stream.indirect_vreg.gather [hbm4b:s5+s3], $0x80, v3, vm0, $0xb8;
	[tilespmem:$0x18100] =	vst v63  }
0x4b: {  	s22 =	simm.s32 $0xD100  }
0x4c: {  	[tilespmem:s22], [sflag:$0x1] =	stream.indirect_vreg.gather [hbm4b:s6+s3], $0x80, v3, vm0, $0xb8;
	[tilespmem:$0x18100] =	vst v63  }
0x4d: {  	s4 =	simm.s32 $0xD900  }
0x4e: {  	[tilespmem:s4], [sflag:$0x1] =	stream.indirect_vreg.gather [hbm4b:s7+s3], $0x80, v3, vm0, $0xb8;
	[tilespmem:$0x18100] =	vst v63  }
0x4f: {  	_ =	swait.ge [sflag:s26], $0x2000  }
0x50: {  	[sflag:s26] =	ssyncset.done $0x0  }
0x51: {  	s9 =	rddreg [dreg:$0x10];
	[sflag:s26] =	ssyncadd.s32 $0xFFFFE000  }
0x52: {  	[hbm4b:s9+s3] =	stream.linear.scatter [tilespmem:s0], [sflag:$0x2], $0x2000, $0x38;
	[tilespmem:$0x18100] =	vst v63  }
0x53: {  	v3 =	vld [tilespmem:$0x20];
	_ =	sdelay $0x4  }
0x54: {  	v49 =	vshll.u32 v3, $0x3  }
0x55: {  	v3 =	vand.u32 $0x7, v3;
	v4 =	vand.u32 $0xFFFFFFC0, v49  }
0x56: {  	v3 =	vor.u32 v3, v4  }
0x57: {  	v4 =	vperm.xlane v3, v0;
	_ =	sdelay $0x1  }
0x58: {  	v4 =	vadd.s32 v1, v4;
	_ =	sdelay $0x3  }
0x59: {  	s1 =	simm.s32 $0x10100  }
0x5a: {  	[tilespmem:s1], [sflag:$0x1] =	stream.indirect_vreg.gather [hbm4b:s2+s3], $0x80, v4, vm0, $0xb8;
	[tilespmem:$0x18100] =	vst v63  }
0x5b: {  	s4 =	simm.s32 $0x10900;
	v3 =	vperm.xlane v3, v2  }
0x5c: {  	[tilespmem:s4], [sflag:$0x1] =	stream.indirect_vreg.gather [hbm4b:s5+s3], $0x80, v4, vm0, $0xb8;
	[tilespmem:$0x18100] =	vst v63  }
0x5d: {  	s10 =	simm.s32 $0x11100;
	v3 =	vadd.s32 v1, v3  }
0x5e: {  	[tilespmem:s10], [sflag:$0x1] =	stream.indirect_vreg.gather [hbm4b:s6+s3], $0x80, v4, vm0, $0xb8;
	[tilespmem:$0x18100] =	vst v63  }
0x5f: {  	s20 =	simm.s32 $0x11900  }
0x60: {  	[tilespmem:s20], [sflag:$0x1] =	stream.indirect_vreg.gather [hbm4b:s7+s3], $0x80, v4, vm0, $0xb8;
	[tilespmem:$0x18100] =	vst v63  }
0x61: {  	s21 =	simm.s32 $0x12100  }
0x62: {  	[tilespmem:s21], [sflag:$0x1] =	stream.indirect_vreg.gather [hbm4b:s2+s3], $0x80, v3, vm0, $0xb8;
	[tilespmem:$0x18100] =	vst v63  }
0x63: {  	s22 =	simm.s32 $0x12900  }
0x64: {  	[tilespmem:s22], [sflag:$0x1] =	stream.indirect_vreg.gather [hbm4b:s5+s3], $0x80, v3, vm0, $0xb8;
	[tilespmem:$0x18100] =	vst v63  }
0x65: {  	s9 =	simm.s32 $0x13100  }
0x66: {  	[tilespmem:s9], [sflag:$0x1] =	stream.indirect_vreg.gather [hbm4b:s6+s3], $0x80, v3, vm0, $0xb8;
	[tilespmem:$0x18100] =	vst v63  }
0x67: {  	s10 =	simm.s32 $0x13900  }
0x68: {  	[tilespmem:s10], [sflag:$0x1] =	stream.indirect_vreg.gather [hbm4b:s7+s3], $0x80, v3, vm0, $0xb8;
	[tilespmem:$0x18100] =	vst v63  }
0x69: {  	v3 =	vld [tilespmem:$0x30];
	_ =	sdelay $0x4  }
0x6a: {  	v50 =	vshll.u32 v3, $0x3  }
0x6b: {  	v3 =	vand.u32 $0x7, v3;
	v4 =	vand.u32 $0xFFFFFFC0, v50  }
0x6c: {  	v3 =	vor.u32 v3, v4  }
0x6d: {  	v4 =	vperm.xlane v3, v0;
	_ =	sdelay $0x1  }
0x6e: {  	v4 =	vadd.s32 v1, v4;
	_ =	sdelay $0x3  }
0x6f: {  	s20 =	simm.s32 $0x14100  }
0x70: {  	[tilespmem:s20], [sflag:$0x1] =	stream.indirect_vreg.gather [hbm4b:s2+s3], $0x80, v4, vm0, $0xb8;
	[tilespmem:$0x18100] =	vst v63  }
0x71: {  	s21 =	simm.s32 $0x14900;
	v3 =	vperm.xlane v3, v2  }
0x72: {  	[tilespmem:s21], [sflag:$0x1] =	stream.indirect_vreg.gather [hbm4b:s5+s3], $0x80, v4, vm0, $0xb8;
	[tilespmem:$0x18100] =	vst v63  }
0x73: {  	s22 =	simm.s32 $0x15100;
	v3 =	vadd.s32 v1, v3  }
0x74: {  	[tilespmem:s22], [sflag:$0x1] =	stream.indirect_vreg.gather [hbm4b:s6+s3], $0x80, v4, vm0, $0xb8;
	[tilespmem:$0x18100] =	vst v63  }
0x75: {  	s9 =	simm.s32 $0x15900  }
0x76: {  	[tilespmem:s9], [sflag:$0x1] =	stream.indirect_vreg.gather [hbm4b:s7+s3], $0x80, v4, vm0, $0xb8;
	[tilespmem:$0x18100] =	vst v63  }
0x77: {  	s10 =	simm.s32 $0x16100  }
0x78: {  	[tilespmem:s10], [sflag:$0x1] =	stream.indirect_vreg.gather [hbm4b:s2+s3], $0x80, v3, vm0, $0xb8;
	[tilespmem:$0x18100] =	vst v63  }
0x79: {  	s20 =	simm.s32 $0x16900  }
0x7a: {  	[tilespmem:s20], [sflag:$0x1] =	stream.indirect_vreg.gather [hbm4b:s5+s3], $0x80, v3, vm0, $0xb8;
	[tilespmem:$0x18100] =	vst v63  }
0x7b: {  	s9 =	simm.s32 $0x17100  }
0x7c: {  	[tilespmem:s9], [sflag:$0x1] =	stream.indirect_vreg.gather [hbm4b:s6+s3], $0x80, v3, vm0, $0xb8;
	[tilespmem:$0x18100] =	vst v63  }
0x7d: {  	s10 =	simm.s32 $0x17900  }
0x7e: {  	[tilespmem:s10], [sflag:$0x1] =	stream.indirect_vreg.gather [hbm4b:s7+s3], $0x80, v3, vm0, $0xb8;
	[tilespmem:$0x18100] =	vst v63  }
0x7f: {  	_ =	swait.ge [sflag:s26], $0x6000  }
0x80: {  	[sflag:s26] =	ssyncset.done $0x0  }
0x81: {  	s21 =	rddreg [dreg:$0x5];
	[sflag:s26] =	ssyncadd.s32 $0xFFFFA000  }
0x82: {  	[hbm4b:s21+s3] =	stream.linear.scatter [tilespmem:s28], [sflag:$0x2], $0x6000, $0x38;
	[tilespmem:$0x18100] =	vst v63  }
0x83: {  	_ =	swait.ge [sflag:s19], $0x2000  }
0x84: {  	[sflag:s19] =	ssyncset.done $0x0  }
0x85: {  	[sflag:s19] =	ssyncadd.s32 $0xFFFFE000  }
0x86: {  	v3 =	vld [tilespmem:$0x40];
	_ =	sdelay $0x4  }
0x87: {  	v51 =	vshll.u32 v3, $0x3  }
0x88: {  	v3 =	vand.u32 $0x7, v3;
	v4 =	vand.u32 $0xFFFFFFC0, v51  }
0x89: {  	v3 =	vor.u32 v3, v4  }
0x8a: {  	v4 =	vperm.xlane v3, v0;
	_ =	sdelay $0x1  }
0x8b: {  	v4 =	vadd.s32 v1, v4;
	_ =	sdelay $0x4  }
0x8c: {  	[tilespmem:s0], [sflag:$0x1] =	stream.indirect_vreg.gather [hbm4b:s2+s3], $0x80, v4, vm0, $0xb8;
	[tilespmem:$0x18100] =	vst v63  }
0x8d: {  	s11 =	simm.s32 $0x900;
	v3 =	vperm.xlane v3, v2  }
0x8e: {  	[tilespmem:s11], [sflag:$0x1] =	stream.indirect_vreg.gather [hbm4b:s5+s3], $0x80, v4, vm0, $0xb8;
	[tilespmem:$0x18100] =	vst v63  }
0x8f: {  	s12 =	simm.s32 $0x1100;
	v3 =	vadd.s32 v1, v3  }
0x90: {  	[tilespmem:s12], [sflag:$0x1] =	stream.indirect_vreg.gather [hbm4b:s6+s3], $0x80, v4, vm0, $0xb8;
	[tilespmem:$0x18100] =	vst v63  }
0x91: {  	s13 =	simm.s32 $0x1900  }
0x92: {  	[tilespmem:s13], [sflag:$0x1] =	stream.indirect_vreg.gather [hbm4b:s7+s3], $0x80, v4, vm0, $0xb8;
	[tilespmem:$0x18100] =	vst v63  }
0x93: {  	s22 =	simm.s32 $0x2100  }
0x94: {  	[tilespmem:s22], [sflag:$0x1] =	stream.indirect_vreg.gather [hbm4b:s2+s3], $0x80, v3, vm0, $0xb8;
	[tilespmem:$0x18100] =	vst v63  }
0x95: {  	s12 =	simm.s32 $0x2900  }
0x96: {  	[tilespmem:s12], [sflag:$0x1] =	stream.indirect_vreg.gather [hbm4b:s5+s3], $0x80, v3, vm0, $0xb8;
	[tilespmem:$0x18100] =	vst v63  }
0x97: {  	s13 =	simm.s32 $0x3100  }
0x98: {  	[tilespmem:s13], [sflag:$0x1] =	stream.indirect_vreg.gather [hbm4b:s6+s3], $0x80, v3, vm0, $0xb8;
	[tilespmem:$0x18100] =	vst v63  }
0x99: {  	_ = 	snop  }
0x9a: {  	[tilespmem:s14], [sflag:$0x1] =	stream.indirect_vreg.gather [hbm4b:s7+s3], $0x80, v3, vm0, $0xb8;
	[tilespmem:$0x18100] =	vst v63  }
0x9b: {  	v3 =	vld [tilespmem:$0x50];
	_ =	sdelay $0x4  }
0x9c: {  	v52 =	vshll.u32 v3, $0x3  }
0x9d: {  	v3 =	vand.u32 $0x7, v3;
	v4 =	vand.u32 $0xFFFFFFC0, v52  }
0x9e: {  	v3 =	vor.u32 v3, v4  }
0x9f: {  	v4 =	vperm.xlane v3, v0;
	_ =	sdelay $0x1  }
0xa0: {  	v4 =	vadd.s32 v1, v4;
	_ =	sdelay $0x4  }
0xa1: {  	[tilespmem:s15], [sflag:$0x1] =	stream.indirect_vreg.gather [hbm4b:s2+s3], $0x80, v4, vm0, $0xb8;
	[tilespmem:$0x18100] =	vst v63  }
0xa2: {  	v3 =	vperm.xlane v3, v2  }
0xa3: {  	[tilespmem:s16], [sflag:$0x1] =	stream.indirect_vreg.gather [hbm4b:s5+s3], $0x80, v4, vm0, $0xb8;
	[tilespmem:$0x18100] =	vst v63  }
0xa4: {  	v3 =	vadd.s32 v1, v3  }
0xa5: {  	[tilespmem:s17], [sflag:$0x1] =	stream.indirect_vreg.gather [hbm4b:s6+s3], $0x80, v4, vm0, $0xb8;
	[tilespmem:$0x18100] =	vst v63  }
0xa6: {  	_ = 	snop  }
0xa7: {  	[tilespmem:s18], [sflag:$0x1] =	stream.indirect_vreg.gather [hbm4b:s7+s3], $0x80, v4, vm0, $0xb8;
	[tilespmem:$0x18100] =	vst v63  }
0xa8: {  	s21 =	simm.s32 $0x6100  }
0xa9: {  	[tilespmem:s21], [sflag:$0x1] =	stream.indirect_vreg.gather [hbm4b:s2+s3], $0x80, v3, vm0, $0xb8;
	[tilespmem:$0x18100] =	vst v63  }
0xaa: {  	s22 =	simm.s32 $0x6900  }
0xab: {  	[tilespmem:s22], [sflag:$0x1] =	stream.indirect_vreg.gather [hbm4b:s5+s3], $0x80, v3, vm0, $0xb8;
	[tilespmem:$0x18100] =	vst v63  }
0xac: {  	_ = 	snop  }
0xad: {  	[tilespmem:s23], [sflag:$0x1] =	stream.indirect_vreg.gather [hbm4b:s6+s3], $0x80, v3, vm0, $0xb8;
	[tilespmem:$0x18100] =	vst v63  }
0xae: {  	_ = 	snop  }
0xaf: {  	[tilespmem:s24], [sflag:$0x1] =	stream.indirect_vreg.gather [hbm4b:s7+s3], $0x80, v3, vm0, $0xb8;
	[tilespmem:$0x18100] =	vst v63  }
0xb0: {  	_ =	swait.ge [sflag:s26], $0x8000  }
0xb1: {  	[sflag:s26] =	ssyncset.done $0x0  }
0xb2: {  	s11 =	rddreg [dreg:$0x6];
	[sflag:s26] =	ssyncadd.s32 $0xFFFF8000  }
0xb3: {  	[hbm4b:s11+s3] =	stream.linear.scatter [tilespmem:s1], [sflag:$0x2], $0x8000, $0x38;
	[tilespmem:$0x18100] =	vst v63  }
0xb4: {  	_ =	swait.ge [sflag:s19], $0x6000  }
0xb5: {  	[sflag:s19] =	ssyncset.done $0x0  }
0xb6: {  	[sflag:s19] =	ssyncadd.s32 $0xFFFFA000  }
0xb7: {  	v3 =	vld [tilespmem:$0x60];
	_ =	sdelay $0x4  }
0xb8: {  	v53 =	vshll.u32 v3, $0x3  }
0xb9: {  	v3 =	vand.u32 $0x7, v3;
	v4 =	vand.u32 $0xFFFFFFC0, v53  }
0xba: {  	v3 =	vor.u32 v3, v4  }
0xbb: {  	v4 =	vperm.xlane v3, v0;
	_ =	sdelay $0x1  }
0xbc: {  	v4 =	vadd.s32 v1, v4;
	_ =	sdelay $0x4  }
0xbd: {  	[tilespmem:s28], [sflag:$0x1] =	stream.indirect_vreg.gather [hbm4b:s2+s3], $0x80, v4, vm0, $0xb8;
	[tilespmem:$0x18100] =	vst v63  }
0xbe: {  	s25 =	simm.s32 $0x8900;
	v3 =	vperm.xlane v3, v2  }
0xbf: {  	[tilespmem:s25], [sflag:$0x1] =	stream.indirect_vreg.gather [hbm4b:s5+s3], $0x80, v4, vm0, $0xb8;
	[tilespmem:$0x18100] =	vst v63  }
0xc0: {  	s31 =	simm.s32 $0x9100;
	v3 =	vadd.s32 v1, v3  }
0xc1: {  	[tilespmem:s31], [sflag:$0x1] =	stream.indirect_vreg.gather [hbm4b:s6+s3], $0x80, v4, vm0, $0xb8;
	[tilespmem:$0x18100] =	vst v63  }
0xc2: {  	s31 =	simm.s32 $0x9900  }
0xc3: {  	[tilespmem:s31], [sflag:$0x1] =	stream.indirect_vreg.gather [hbm4b:s7+s3], $0x80, v4, vm0, $0xb8;
	[tilespmem:$0x18100] =	vst v63  }
0xc4: {  	s11 =	simm.s32 $0xA100  }
0xc5: {  	[tilespmem:s11], [sflag:$0x1] =	stream.indirect_vreg.gather [hbm4b:s2+s3], $0x80, v3, vm0, $0xb8;
	[tilespmem:$0x18100] =	vst v63  }
0xc6: {  	s30 =	simm.s32 $0xA900  }
0xc7: {  	[tilespmem:s30], [sflag:$0x1] =	stream.indirect_vreg.gather [hbm4b:s5+s3], $0x80, v3, vm0, $0xb8;
	[tilespmem:$0x18100] =	vst v63  }
0xc8: {  	s20 =	simm.s32 $0xB100  }
0xc9: {  	[tilespmem:s20], [sflag:$0x1] =	stream.indirect_vreg.gather [hbm4b:s6+s3], $0x80, v3, vm0, $0xb8;
	[tilespmem:$0x18100] =	vst v63  }
0xca: {  	s29 =	simm.s32 $0xB900  }
0xcb: {  	[tilespmem:s29], [sflag:$0x1] =	stream.indirect_vreg.gather [hbm4b:s7+s3], $0x80, v3, vm0, $0xb8;
	[tilespmem:$0x18100] =	vst v63  }
0xcc: {  	v3 =	vld [tilespmem:$0x70];
	_ =	sdelay $0x4  }
0xcd: {  	v54 =	vshll.u32 v3, $0x3  }
0xce: {  	v3 =	vand.u32 $0x7, v3;
	v4 =	vand.u32 $0xFFFFFFC0, v54  }
0xcf: {  	v3 =	vor.u32 v3, v4  }
0xd0: {  	v4 =	vperm.xlane v3, v0;
	_ =	sdelay $0x1  }
0xd1: {  	v4 =	vadd.s32 v1, v4;
	_ =	sdelay $0x3  }
0xd2: {  	s25 =	simm.s32 $0xC100  }
0xd3: {  	[tilespmem:s25], [sflag:$0x1] =	stream.indirect_vreg.gather [hbm4b:s2+s3], $0x80, v4, vm0, $0xb8;
	[tilespmem:$0x18100] =	vst v63  }
0xd4: {  	s29 =	simm.s32 $0xC900;
	v3 =	vperm.xlane v3, v2  }
0xd5: {  	[tilespmem:s29], [sflag:$0x1] =	stream.indirect_vreg.gather [hbm4b:s5+s3], $0x80, v4, vm0, $0xb8;
	[tilespmem:$0x18100] =	vst v63  }
0xd6: {  	s30 =	simm.s32 $0xD100;
	v3 =	vadd.s32 v1, v3  }
0xd7: {  	[tilespmem:s30], [sflag:$0x1] =	stream.indirect_vreg.gather [hbm4b:s6+s3], $0x80, v4, vm0, $0xb8;
	[tilespmem:$0x18100] =	vst v63  }
0xd8: {  	s31 =	simm.s32 $0xD900  }
0xd9: {  	[tilespmem:s31], [sflag:$0x1] =	stream.indirect_vreg.gather [hbm4b:s7+s3], $0x80, v4, vm0, $0xb8;
	[tilespmem:$0x18100] =	vst v63  }
0xda: {  	s25 =	simm.s32 $0xE100  }
0xdb: {  	[tilespmem:s25], [sflag:$0x1] =	stream.indirect_vreg.gather [hbm4b:s2+s3], $0x80, v3, vm0, $0xb8;
	[tilespmem:$0x18100] =	vst v63  }
0xdc: {  	s29 =	simm.s32 $0xE900  }
0xdd: {  	[tilespmem:s29], [sflag:$0x1] =	stream.indirect_vreg.gather [hbm4b:s5+s3], $0x80, v3, vm0, $0xb8;
	[tilespmem:$0x18100] =	vst v63  }
0xde: {  	s30 =	simm.s32 $0xF100  }
0xdf: {  	[tilespmem:s30], [sflag:$0x1] =	stream.indirect_vreg.gather [hbm4b:s6+s3], $0x80, v3, vm0, $0xb8;
	[tilespmem:$0x18100] =	vst v63  }
0xe0: {  	s31 =	simm.s32 $0xF900  }
0xe1: {  	[tilespmem:s31], [sflag:$0x1] =	stream.indirect_vreg.gather [hbm4b:s7+s3], $0x80, v3, vm0, $0xb8;
	[tilespmem:$0x18100] =	vst v63  }
0xe2: {  	_ =	swait.ge [sflag:s26], $0x8000  }
0xe3: {  	[sflag:s26] =	ssyncset.done $0x0  }
0xe4: {  	s4 =	rddreg [dreg:$0x7];
	[sflag:s26] =	ssyncadd.s32 $0xFFFF8000  }
0xe5: {  	[hbm4b:s4+s3] =	stream.linear.scatter [tilespmem:s0], [sflag:$0x2], $0x8000, $0x38;
	[tilespmem:$0x18100] =	vst v63  }
0xe6: {  	_ =	swait.ge [sflag:s19], $0x8000  }
0xe7: {  	[sflag:s19] =	ssyncset.done $0x0  }
0xe8: {  	[sflag:s19] =	ssyncadd.s32 $0xFFFF8000  }
0xe9: {  	v3 =	vld [tilespmem:$0x80];
	_ =	sdelay $0x4  }
0xea: {  	v55 =	vshll.u32 v3, $0x3  }
0xeb: {  	v3 =	vand.u32 $0x7, v3;
	v4 =	vand.u32 $0xFFFFFFC0, v55  }
0xec: {  	v3 =	vor.u32 v3, v4  }
0xed: {  	v4 =	vperm.xlane v3, v0;
	_ =	sdelay $0x1  }
0xee: {  	v4 =	vadd.s32 v1, v4;
	_ =	sdelay $0x4  }
0xef: {  	[tilespmem:s1], [sflag:$0x1] =	stream.indirect_vreg.gather [hbm4b:s2+s3], $0x80, v4, vm0, $0xb8;
	[tilespmem:$0x18100] =	vst v63  }
0xf0: {  	s11 =	simm.s32 $0x10900;
	v3 =	vperm.xlane v3, v2  }
0xf1: {  	[tilespmem:s11], [sflag:$0x1] =	stream.indirect_vreg.gather [hbm4b:s5+s3], $0x80, v4, vm0, $0xb8;
	[tilespmem:$0x18100] =	vst v63  }
0xf2: {  	s4 =	simm.s32 $0x11100;
	v3 =	vadd.s32 v1, v3  }
0xf3: {  	[tilespmem:s4], [sflag:$0x1] =	stream.indirect_vreg.gather [hbm4b:s6+s3], $0x80, v4, vm0, $0xb8;
	[tilespmem:$0x18100] =	vst v63  }
0xf4: {  	s11 =	simm.s32 $0x11900  }
0xf5: {  	[tilespmem:s11], [sflag:$0x1] =	stream.indirect_vreg.gather [hbm4b:s7+s3], $0x80, v4, vm0, $0xb8;
	[tilespmem:$0x18100] =	vst v63  }
0xf6: {  	s4 =	simm.s32 $0x12100  }
0xf7: {  	[tilespmem:s4], [sflag:$0x1] =	stream.indirect_vreg.gather [hbm4b:s2+s3], $0x80, v3, vm0, $0xb8;
	[tilespmem:$0x18100] =	vst v63  }
0xf8: {  	s11 =	simm.s32 $0x12900  }
0xf9: {  	[tilespmem:s11], [sflag:$0x1] =	stream.indirect_vreg.gather [hbm4b:s5+s3], $0x80, v3, vm0, $0xb8;
	[tilespmem:$0x18100] =	vst v63  }
0xfa: {  	s4 =	simm.s32 $0x13100  }
0xfb: {  	[tilespmem:s4], [sflag:$0x1] =	stream.indirect_vreg.gather [hbm4b:s6+s3], $0x80, v3, vm0, $0xb8;
	[tilespmem:$0x18100] =	vst v63  }
0xfc: {  	s11 =	simm.s32 $0x13900  }
0xfd: {  	[tilespmem:s11], [sflag:$0x1] =	stream.indirect_vreg.gather [hbm4b:s7+s3], $0x80, v3, vm0, $0xb8;
	[tilespmem:$0x18100] =	vst v63  }
0xfe: {  	v3 =	vld [tilespmem:$0x90];
	_ =	sdelay $0x4  }
0xff: {  	v56 =	vshll.u32 v3, $0x3  }
0x100: {  	v3 =	vand.u32 $0x7, v3;
	v4 =	vand.u32 $0xFFFFFFC0, v56  }
0x101: {  	v3 =	vor.u32 v3, v4  }
0x102: {  	v4 =	vperm.xlane v3, v0;
	_ =	sdelay $0x1  }
0x103: {  	v4 =	vadd.s32 v1, v4;
	_ =	sdelay $0x3  }
0x104: {  	s4 =	simm.s32 $0x14100  }
0x105: {  	[tilespmem:s4], [sflag:$0x1] =	stream.indirect_vreg.gather [hbm4b:s2+s3], $0x80, v4, vm0, $0xb8;
	[tilespmem:$0x18100] =	vst v63  }
0x106: {  	s11 =	simm.s32 $0x14900;
	v3 =	vperm.xlane v3, v2  }
0x107: {  	[tilespmem:s11], [sflag:$0x1] =	stream.indirect_vreg.gather [hbm4b:s5+s3], $0x80, v4, vm0, $0xb8;
	[tilespmem:$0x18100] =	vst v63  }
0x108: {  	v3 =	vadd.s32 v1, v3;
	s11 =	simm.s32 $0x15100  }
0x109: {  	[tilespmem:s11], [sflag:$0x1] =	stream.indirect_vreg.gather [hbm4b:s6+s3], $0x80, v4, vm0, $0xb8;
	[tilespmem:$0x18100] =	vst v63  }
0x10a: {  	s4 =	simm.s32 $0x15900  }
0x10b: {  	[tilespmem:s4], [sflag:$0x1] =	stream.indirect_vreg.gather [hbm4b:s7+s3], $0x80, v4, vm0, $0xb8;
	[tilespmem:$0x18100] =	vst v63  }
0x10c: {  	s20 =	simm.s32 $0x16100  }
0x10d: {  	[tilespmem:s20], [sflag:$0x1] =	stream.indirect_vreg.gather [hbm4b:s2+s3], $0x80, v3, vm0, $0xb8;
	[tilespmem:$0x18100] =	vst v63  }
0x10e: {  	s20 =	simm.s32 $0x16900  }
0x10f: {  	[tilespmem:s20], [sflag:$0x1] =	stream.indirect_vreg.gather [hbm4b:s5+s3], $0x80, v3, vm0, $0xb8;
	[tilespmem:$0x18100] =	vst v63  }
0x110: {  	_ = 	snop  }
0x111: {  	[tilespmem:s9], [sflag:$0x1] =	stream.indirect_vreg.gather [hbm4b:s6+s3], $0x80, v3, vm0, $0xb8;
	[tilespmem:$0x18100] =	vst v63  }
0x112: {  	_ = 	snop  }
0x113: {  	[tilespmem:s10], [sflag:$0x1] =	stream.indirect_vreg.gather [hbm4b:s7+s3], $0x80, v3, vm0, $0xb8;
	[tilespmem:$0x18100] =	vst v63  }
0x114: {  	_ =	swait.ge [sflag:s26], $0x8000  }
0x115: {  	[sflag:s26] =	ssyncset.done $0x0  }
0x116: {  	s10 =	rddreg [dreg:$0x8];
	[sflag:s26] =	ssyncadd.s32 $0xFFFF8000  }
0x117: {  	[hbm4b:s10+s3] =	stream.linear.scatter [tilespmem:s28], [sflag:$0x2], $0x8000, $0x38;
	[tilespmem:$0x18100] =	vst v63  }
0x118: {  	_ =	swait.ge [sflag:s19], $0x8000  }
0x119: {  	[sflag:s19] =	ssyncset.done $0x0  }
0x11a: {  	[sflag:s19] =	ssyncadd.s32 $0xFFFF8000  }
0x11b: {  	v3 =	vld [tilespmem:$0xA0];
	_ =	sdelay $0x4  }
0x11c: {  	v57 =	vshll.u32 v3, $0x3  }
0x11d: {  	v3 =	vand.u32 $0x7, v3;
	v4 =	vand.u32 $0xFFFFFFC0, v57  }
0x11e: {  	v3 =	vor.u32 v3, v4  }
0x11f: {  	v4 =	vperm.xlane v3, v0;
	_ =	sdelay $0x1  }
0x120: {  	v4 =	vadd.s32 v1, v4;
	_ =	sdelay $0x4  }
0x121: {  	[tilespmem:s0], [sflag:$0x1] =	stream.indirect_vreg.gather [hbm4b:s2+s3], $0x80, v4, vm0, $0xb8;
	[tilespmem:$0x18100] =	vst v63  }
0x122: {  	s20 =	simm.s32 $0x900;
	v3 =	vperm.xlane v3, v2  }
0x123: {  	[tilespmem:s20], [sflag:$0x1] =	stream.indirect_vreg.gather [hbm4b:s5+s3], $0x80, v4, vm0, $0xb8;
	[tilespmem:$0x18100] =	vst v63  }
0x124: {  	s4 =	simm.s32 $0x1100;
	v3 =	vadd.s32 v1, v3  }
0x125: {  	[tilespmem:s4], [sflag:$0x1] =	stream.indirect_vreg.gather [hbm4b:s6+s3], $0x80, v4, vm0, $0xb8;
	[tilespmem:$0x18100] =	vst v63  }
0x126: {  	s10 =	simm.s32 $0x1900  }
0x127: {  	[tilespmem:s10], [sflag:$0x1] =	stream.indirect_vreg.gather [hbm4b:s7+s3], $0x80, v4, vm0, $0xb8;
	[tilespmem:$0x18100] =	vst v63  }
0x128: {  	s20 =	simm.s32 $0x2100  }
0x129: {  	[tilespmem:s20], [sflag:$0x1] =	stream.indirect_vreg.gather [hbm4b:s2+s3], $0x80, v3, vm0, $0xb8;
	[tilespmem:$0x18100] =	vst v63  }
0x12a: {  	_ = 	snop  }
0x12b: {  	[tilespmem:s12], [sflag:$0x1] =	stream.indirect_vreg.gather [hbm4b:s5+s3], $0x80, v3, vm0, $0xb8;
	[tilespmem:$0x18100] =	vst v63  }
0x12c: {  	_ = 	snop  }
0x12d: {  	[tilespmem:s13], [sflag:$0x1] =	stream.indirect_vreg.gather [hbm4b:s6+s3], $0x80, v3, vm0, $0xb8;
	[tilespmem:$0x18100] =	vst v63  }
0x12e: {  	_ = 	snop  }
0x12f: {  	[tilespmem:s14], [sflag:$0x1] =	stream.indirect_vreg.gather [hbm4b:s7+s3], $0x80, v3, vm0, $0xb8;
	[tilespmem:$0x18100] =	vst v63  }
0x130: {  	v3 =	vld [tilespmem:$0xB0];
	_ =	sdelay $0x4  }
0x131: {  	v58 =	vshll.u32 v3, $0x3  }
0x132: {  	v3 =	vand.u32 $0x7, v3;
	v4 =	vand.u32 $0xFFFFFFC0, v58  }
0x133: {  	v3 =	vor.u32 v3, v4  }
0x134: {  	v4 =	vperm.xlane v3, v0;
	_ =	sdelay $0x1  }
0x135: {  	v4 =	vadd.s32 v1, v4;
	_ =	sdelay $0x4  }
0x136: {  	[tilespmem:s15], [sflag:$0x1] =	stream.indirect_vreg.gather [hbm4b:s2+s3], $0x80, v4, vm0, $0xb8;
	[tilespmem:$0x18100] =	vst v63  }
0x137: {  	v3 =	vperm.xlane v3, v2  }
0x138: {  	[tilespmem:s16], [sflag:$0x1] =	stream.indirect_vreg.gather [hbm4b:s5+s3], $0x80, v4, vm0, $0xb8;
	[tilespmem:$0x18100] =	vst v63  }
0x139: {  	v3 =	vadd.s32 v1, v3  }
0x13a: {  	[tilespmem:s17], [sflag:$0x1] =	stream.indirect_vreg.gather [hbm4b:s6+s3], $0x80, v4, vm0, $0xb8;
	[tilespmem:$0x18100] =	vst v63  }
0x13b: {  	_ = 	snop  }
0x13c: {  	[tilespmem:s18], [sflag:$0x1] =	stream.indirect_vreg.gather [hbm4b:s7+s3], $0x80, v4, vm0, $0xb8;
	[tilespmem:$0x18100] =	vst v63  }
0x13d: {  	_ = 	snop  }
0x13e: {  	[tilespmem:s21], [sflag:$0x1] =	stream.indirect_vreg.gather [hbm4b:s2+s3], $0x80, v3, vm0, $0xb8;
	[tilespmem:$0x18100] =	vst v63  }
0x13f: {  	_ = 	snop  }
0x140: {  	[tilespmem:s22], [sflag:$0x1] =	stream.indirect_vreg.gather [hbm4b:s5+s3], $0x80, v3, vm0, $0xb8;
	[tilespmem:$0x18100] =	vst v63  }
0x141: {  	_ = 	snop  }
0x142: {  	[tilespmem:s23], [sflag:$0x1] =	stream.indirect_vreg.gather [hbm4b:s6+s3], $0x80, v3, vm0, $0xb8;
	[tilespmem:$0x18100] =	vst v63  }
0x143: {  	_ = 	snop  }
0x144: {  	[tilespmem:s24], [sflag:$0x1] =	stream.indirect_vreg.gather [hbm4b:s7+s3], $0x80, v3, vm0, $0xb8;
	[tilespmem:$0x18100] =	vst v63  }
0x145: {  	_ =	swait.ge [sflag:s26], $0x8000  }
0x146: {  	[sflag:s26] =	ssyncset.done $0x0  }
0x147: {  	s21 =	rddreg [dreg:$0x9];
	[sflag:s26] =	ssyncadd.s32 $0xFFFF8000  }
0x148: {  	[hbm4b:s21+s3] =	stream.linear.scatter [tilespmem:s1], [sflag:$0x2], $0x8000, $0x38;
	[tilespmem:$0x18100] =	vst v63  }
0x149: {  	_ =	swait.ge [sflag:s19], $0x8000  }
0x14a: {  	[sflag:s19] =	ssyncset.done $0x0  }
0x14b: {  	[sflag:s19] =	ssyncadd.s32 $0xFFFF8000  }
0x14c: {  	v3 =	vld [tilespmem:$0xC0];
	_ =	sdelay $0x4  }
0x14d: {  	v59 =	vshll.u32 v3, $0x3  }
0x14e: {  	v3 =	vand.u32 $0x7, v3;
	v4 =	vand.u32 $0xFFFFFFC0, v59  }
0x14f: {  	v3 =	vor.u32 v3, v4  }
0x150: {  	v4 =	vperm.xlane v3, v0;
	_ =	sdelay $0x1  }
0x151: {  	v4 =	vadd.s32 v1, v4;
	_ =	sdelay $0x4  }
0x152: {  	[tilespmem:s28], [sflag:$0x1] =	stream.indirect_vreg.gather [hbm4b:s2+s3], $0x80, v4, vm0, $0xb8;
	[tilespmem:$0x18100] =	vst v63  }
0x153: {  	s22 =	simm.s32 $0x8900;
	v3 =	vperm.xlane v3, v2  }
0x154: {  	[tilespmem:s22], [sflag:$0x1] =	stream.indirect_vreg.gather [hbm4b:s5+s3], $0x80, v4, vm0, $0xb8;
	[tilespmem:$0x18100] =	vst v63  }
0x155: {  	s13 =	simm.s32 $0x9100;
	v3 =	vadd.s32 v1, v3  }
0x156: {  	[tilespmem:s13], [sflag:$0x1] =	stream.indirect_vreg.gather [hbm4b:s6+s3], $0x80, v4, vm0, $0xb8;
	[tilespmem:$0x18100] =	vst v63  }
0x157: {  	s20 =	simm.s32 $0x9900  }
0x158: {  	[tilespmem:s20], [sflag:$0x1] =	stream.indirect_vreg.gather [hbm4b:s7+s3], $0x80, v4, vm0, $0xb8;
	[tilespmem:$0x18100] =	vst v63  }
0x159: {  	s21 =	simm.s32 $0xA100  }
0x15a: {  	[tilespmem:s21], [sflag:$0x1] =	stream.indirect_vreg.gather [hbm4b:s2+s3], $0x80, v3, vm0, $0xb8;
	[tilespmem:$0x18100] =	vst v63  }
0x15b: {  	s22 =	simm.s32 $0xA900  }
0x15c: {  	[tilespmem:s22], [sflag:$0x1] =	stream.indirect_vreg.gather [hbm4b:s5+s3], $0x80, v3, vm0, $0xb8;
	[tilespmem:$0x18100] =	vst v63  }
0x15d: {  	s13 =	simm.s32 $0xB100  }
0x15e: {  	[tilespmem:s13], [sflag:$0x1] =	stream.indirect_vreg.gather [hbm4b:s6+s3], $0x80, v3, vm0, $0xb8;
	[tilespmem:$0x18100] =	vst v63  }
0x15f: {  	s20 =	simm.s32 $0xB900  }
0x160: {  	[tilespmem:s20], [sflag:$0x1] =	stream.indirect_vreg.gather [hbm4b:s7+s3], $0x80, v3, vm0, $0xb8;
	[tilespmem:$0x18100] =	vst v63  }
0x161: {  	v3 =	vld [tilespmem:$0xD0];
	_ =	sdelay $0x4  }
0x162: {  	v60 =	vshll.u32 v3, $0x3  }
0x163: {  	v3 =	vand.u32 $0x7, v3;
	v4 =	vand.u32 $0xFFFFFFC0, v60  }
0x164: {  	v3 =	vor.u32 v3, v4  }
0x165: {  	v4 =	vperm.xlane v3, v0;
	_ =	sdelay $0x1  }
0x166: {  	v4 =	vadd.s32 v1, v4;
	_ =	sdelay $0x3  }
0x167: {  	s21 =	simm.s32 $0xC100  }
0x168: {  	[tilespmem:s21], [sflag:$0x1] =	stream.indirect_vreg.gather [hbm4b:s2+s3], $0x80, v4, vm0, $0xb8;
	[tilespmem:$0x18100] =	vst v63  }
0x169: {  	s22 =	simm.s32 $0xC900;
	v3 =	vperm.xlane v3, v2  }
0x16a: {  	[tilespmem:s22], [sflag:$0x1] =	stream.indirect_vreg.gather [hbm4b:s5+s3], $0x80, v4, vm0, $0xb8;
	[tilespmem:$0x18100] =	vst v63  }
0x16b: {  	s13 =	simm.s32 $0xD100;
	v3 =	vadd.s32 v1, v3  }
0x16c: {  	[tilespmem:s13], [sflag:$0x1] =	stream.indirect_vreg.gather [hbm4b:s6+s3], $0x80, v4, vm0, $0xb8;
	[tilespmem:$0x18100] =	vst v63  }
0x16d: {  	s20 =	simm.s32 $0xD900  }
0x16e: {  	[tilespmem:s20], [sflag:$0x1] =	stream.indirect_vreg.gather [hbm4b:s7+s3], $0x80, v4, vm0, $0xb8;
	[tilespmem:$0x18100] =	vst v63  }
0x16f: {  	_ = 	snop  }
0x170: {  	[tilespmem:s25], [sflag:$0x1] =	stream.indirect_vreg.gather [hbm4b:s2+s3], $0x80, v3, vm0, $0xb8;
	[tilespmem:$0x18100] =	vst v63  }
0x171: {  	_ = 	snop  }
0x172: {  	[tilespmem:s29], [sflag:$0x1] =	stream.indirect_vreg.gather [hbm4b:s5+s3], $0x80, v3, vm0, $0xb8;
	[tilespmem:$0x18100] =	vst v63  }
0x173: {  	_ = 	snop  }
0x174: {  	[tilespmem:s30], [sflag:$0x1] =	stream.indirect_vreg.gather [hbm4b:s6+s3], $0x80, v3, vm0, $0xb8;
	[tilespmem:$0x18100] =	vst v63  }
0x175: {  	_ = 	snop  }
0x176: {  	[tilespmem:s31], [sflag:$0x1] =	stream.indirect_vreg.gather [hbm4b:s7+s3], $0x80, v3, vm0, $0xb8;
	[tilespmem:$0x18100] =	vst v63  }
0x177: {  	_ =	swait.ge [sflag:s26], $0x8000  }
0x178: {  	[sflag:s26] =	ssyncset.done $0x0  }
0x179: {  	s21 =	rddreg [dreg:$0xa];
	[sflag:s26] =	ssyncadd.s32 $0xFFFF8000  }
0x17a: {  	[hbm4b:s21+s3] =	stream.linear.scatter [tilespmem:s0], [sflag:$0x2], $0x8000, $0x38;
	[tilespmem:$0x18100] =	vst v63  }
0x17b: {  	_ =	swait.ge [sflag:s19], $0x8000  }
0x17c: {  	[sflag:s19] =	ssyncset.done $0x0  }
0x17d: {  	[sflag:s19] =	ssyncadd.s32 $0xFFFF8000  }
0x17e: {  	v3 =	vld [tilespmem:$0xE0];
	_ =	sdelay $0x4  }
0x17f: {  	v61 =	vshll.u32 v3, $0x3  }
0x180: {  	v3 =	vand.u32 $0x7, v3;
	v4 =	vand.u32 $0xFFFFFFC0, v61  }
0x181: {  	v3 =	vor.u32 v3, v4  }
0x182: {  	v4 =	vperm.xlane v3, v0;
	_ =	sdelay $0x1  }
0x183: {  	v4 =	vadd.s32 v1, v4;
	_ =	sdelay $0x4  }
0x184: {  	[tilespmem:s1], [sflag:$0x1] =	stream.indirect_vreg.gather [hbm4b:s2+s3], $0x80, v4, vm0, $0xb8;
	[tilespmem:$0x18100] =	vst v63  }
0x185: {  	s22 =	simm.s32 $0x10900;
	v3 =	vperm.xlane v3, v2  }
0x186: {  	[tilespmem:s22], [sflag:$0x1] =	stream.indirect_vreg.gather [hbm4b:s5+s3], $0x80, v4, vm0, $0xb8;
	[tilespmem:$0x18100] =	vst v63  }
0x187: {  	s25 =	simm.s32 $0x11100;
	v3 =	vadd.s32 v1, v3  }
0x188: {  	[tilespmem:s25], [sflag:$0x1] =	stream.indirect_vreg.gather [hbm4b:s6+s3], $0x80, v4, vm0, $0xb8;
	[tilespmem:$0x18100] =	vst v63  }
0x189: {  	s29 =	simm.s32 $0x11900  }
0x18a: {  	[tilespmem:s29], [sflag:$0x1] =	stream.indirect_vreg.gather [hbm4b:s7+s3], $0x80, v4, vm0, $0xb8;
	[tilespmem:$0x18100] =	vst v63  }
0x18b: {  	s30 =	simm.s32 $0x12100  }
0x18c: {  	[tilespmem:s30], [sflag:$0x1] =	stream.indirect_vreg.gather [hbm4b:s2+s3], $0x80, v3, vm0, $0xb8;
	[tilespmem:$0x18100] =	vst v63  }
0x18d: {  	s31 =	simm.s32 $0x12900  }
0x18e: {  	[tilespmem:s31], [sflag:$0x1] =	stream.indirect_vreg.gather [hbm4b:s5+s3], $0x80, v3, vm0, $0xb8;
	[tilespmem:$0x18100] =	vst v63  }
0x18f: {  	s13 =	simm.s32 $0x13100  }
0x190: {  	[tilespmem:s13], [sflag:$0x1] =	stream.indirect_vreg.gather [hbm4b:s6+s3], $0x80, v3, vm0, $0xb8;
	[tilespmem:$0x18100] =	vst v63  }
0x191: {  	s20 =	simm.s32 $0x13900  }
0x192: {  	[tilespmem:s20], [sflag:$0x1] =	stream.indirect_vreg.gather [hbm4b:s7+s3], $0x80, v3, vm0, $0xb8;
	[tilespmem:$0x18100] =	vst v63  }
0x193: {  	v3 =	vld.msk [tilespmem:$0xF0], $0xff;
	_ =	sdelay $0x4  }
0x194: {  	v62 =	vshll.u32 v3, $0x3  }
0x195: {  	v3 =	vand.u32 $0x7, v3;
	v4 =	vand.u32 $0xFFFFFFC0, v62  }
0x196: {  	v3 =	vor.u32 v3, v4  }
0x197: {  	v3 =	vperm.xlane v3, v0;
	_ =	sdelay $0x1  }
0x198: {  	v3 =	vadd.s32 v1, v3;
	_ =	sdelay $0x3  }
0x199: {  	s21 =	simm.s32 $0x14100  }
0x19a: {  	[tilespmem:s21], [sflag:$0x1] =	stream.indirect_vreg.gather [hbm4b:s2+s3], $0x80, v3, vm0, $0xb8;
	[tilespmem:$0x18100] =	vst v63  }
0x19b: {  	s22 =	simm.s32 $0x14900  }
0x19c: {  	[tilespmem:s22], [sflag:$0x1] =	stream.indirect_vreg.gather [hbm4b:s5+s3], $0x80, v3, vm0, $0xb8;
	[tilespmem:$0x18100] =	vst v63  }
0x19d: {  	_ = 	snop  }
0x19e: {  	[tilespmem:s11], [sflag:$0x1] =	stream.indirect_vreg.gather [hbm4b:s6+s3], $0x80, v3, vm0, $0xb8;
	[tilespmem:$0x18100] =	vst v63  }
0x19f: {  	s25 =	simm.s32 $0x15900  }
0x1a0: {  	[tilespmem:s25], [sflag:$0x1] =	stream.indirect_vreg.gather [hbm4b:s7+s3], $0x80, v3, vm0, $0xb8;
	[tilespmem:$0x18100] =	vst v63  }
0x1a1: {  	_ =	swait.ge [sflag:s26], $0x8000  }
0x1a2: {  	[sflag:s26] =	ssyncset.done $0x0  }
0x1a3: {  	s29 =	rddreg [dreg:$0xb];
	[sflag:s26] =	ssyncadd.s32 $0xFFFF8000  }
0x1a4: {  	[hbm4b:s29+s3] =	stream.linear.scatter [tilespmem:s28], [sflag:$0x2], $0x8000, $0x38;
	[tilespmem:$0x18100] =	vst v63  }
0x1a5: {  	_ =	swait.ge [sflag:s19], $0x8000  }
0x1a6: {  	[sflag:s19] =	ssyncset.done $0x0  }
0x1a7: {  	[sflag:s19] =	ssyncadd.s32 $0xFFFF8000  }
0x1a8: {  	v3 =	vld.msk [tilespmem:$0xF8], $0xff;
	_ =	sdelay $0x4  }
0x1a9: {  	v63 =	vshll.u32 v3, $0x3  }
0x1aa: {  	v3 =	vand.u32 $0x7, v3;
	v4 =	vand.u32 $0xFFFFFFC0, v63  }
0x1ab: {  	v3 =	vor.u32 v3, v4  }
0x1ac: {  	v3 =	vperm.xlane v3, v0;
	_ =	sdelay $0x1  }
0x1ad: {  	v3 =	vadd.s32 v1, v3;
	_ =	sdelay $0x4  }
0x1ae: {  	[tilespmem:s0], [sflag:$0x1] =	stream.indirect_vreg.gather [hbm4b:s2+s3], $0x80, v3, vm0, $0xb8;
	[tilespmem:$0x18100] =	vst v63  }
0x1af: {  	s9 =	simm.s32 $0x900  }
0x1b0: {  	[tilespmem:s9], [sflag:$0x1] =	stream.indirect_vreg.gather [hbm4b:s5+s3], $0x80, v3, vm0, $0xb8;
	[tilespmem:$0x18100] =	vst v63  }
0x1b1: {  	_ = 	snop  }
0x1b2: {  	[tilespmem:s4], [sflag:$0x1] =	stream.indirect_vreg.gather [hbm4b:s6+s3], $0x80, v3, vm0, $0xb8;
	[tilespmem:$0x18100] =	vst v63  }
0x1b3: {  	_ = 	snop  }
0x1b4: {  	[tilespmem:s10], [sflag:$0x1] =	stream.indirect_vreg.gather [hbm4b:s7+s3], $0x80, v3, vm0, $0xb8;
	[tilespmem:$0x18100] =	vst v63  }
0x1b5: {  	_ =	swait.ge [sflag:s26], $0x6000  }
0x1b6: {  	[sflag:s26] =	ssyncset.done $0x0  }
0x1b7: {  	s30 =	rddreg [dreg:$0xc];
	[sflag:s26] =	ssyncadd.s32 $0xFFFFA000  }
0x1b8: {  	[hbm4b:s30+s3] =	stream.linear.scatter [tilespmem:s1], [sflag:$0x2], $0x6000, $0x38;
	[tilespmem:$0x18100] =	vst v63  }
0x1b9: {  	_ =	swait.ge [sflag:s26], $0x2000  }
0x1ba: {  	[sflag:s26] =	ssyncset.done $0x0  }
0x1bb: {  	s31 =	rddreg [dreg:$0xd];
	[sflag:s26] =	ssyncadd.s32 $0xFFFFE000  }
0x1bc: {  	[hbm4b:s31+s3] =	stream.linear.scatter [tilespmem:s0], [sflag:$0x2], $0x2000, $0x38;
	[tilespmem:$0x18100] =	vst v63  }
0x1bd: {  	_ =	swait.ge [sflag:s19], $0x8000  }
0x1be: {  	[sflag:s19] =	ssyncset.done $0x0  }
0x1bf: {  	[sflag:s19] =	ssyncadd.s32 $0xFFFF8000  }
0x1c0: {  	p0 =	sne.s32 s8, $0x1;
	_ =	swait.ge [sflag:s19], $0x6000  }
.Ltmp0:
0x1c1: {  	[sflag:s19] =	ssyncset.done $0x0;
	(pc) =	sbr.rel @p0 .LBB2_1-.Ltmp0, $4  }
0x1c2: {  	[sflag:s19] =	ssyncadd.s32 $0xFFFFA000  }
0x1c3: {  	_ =	swait.ge [sflag:s19], $0x2000  }
0x1c4: {  	[sflag:s19] =	ssyncset.done $0x0  }
0x1c5: {  	s8 =	sadd.s32 $0xFFFFFFFF, s8;
	[sflag:s19] =	ssyncadd.s32 $0xFFFFE000  }
0x1c6: {  	_ =	sfence.sel $0x180000  }
0x1c7: {  	[bflag:$0x0] =	sbarrier.arrive $0xFFFF  }
0x1c8: {  	_ =	strace $0x90000047  }
0x1c9: {  	s0 =	stileid.u32;
	[bflag:$0x2] =	sbarrier.arrive $0xFFFF  }
0x1ca: {  	p0 =	sne.s32 s0, $0x0;
	s0 =	rddreg [dreg:$0x3]  }
0x1cb: {  	s0 =	sadd.s32 @!p0 $0x100000, s0  }
0x1cc: {  	[sflag:s0] =	ssyncadd.tile.s32 @!p0 $0x1;
	_ =	shalt  }
.Lfunc_end2:
_tile_overlayer_lowered:
.L_overlay_start_2:
0x1cd: {  	(tag) =	ssettag $0x2  }
0x1ce: {  	s0 =	rddreg [dreg:$0x0];
	s2 =	stileid.u32  }
0x1cf: {  	s1 =	rddreg [dreg:$0x1];
	p0 =	sne.s32 s2, $0x0  }
0x1d0: {  	s3 =	rddreg [dreg:$0x2];
	[bflag:$0x3] =	sbarrier.arrive $0xFFFF;
	s2 =	simm.s32 @!p0 $0x1C03  }
0x1d1: {  	[timem:s3], [sflag:s2] =	dma.local @!p0 [hbm:s0], s1  }
0x1d2: {  	s0 =	simm.s32 @!p0 $0x3  }
0x1d3: {  	_ =	swait.ge @!p0 [sflag:s0], s1  }
0x1d4: {  	s1 =	ssub.s32 @!p0 $0x0, s1;
	[sflag:s0] =	ssyncset.done @!p0 $0x0  }
0x1d5: {  	[sflag:s0] =	ssyncadd.s32 @!p0 s1  }
0x1d6: {  	[bflag:$0x3] =	sbarrier.arrive $0xFFFF  }
0x1d7: {  	_ =	shalt  }

</sc_bundles>
